<compile_context>
chip_gen: v7x
topology: tpu7x:2x2x1
jax: 0.10.2.dev20260603
libtpu: 0.0.44.dev20260713+nightly
codegen_flags: <defaults>
</compile_context>

<pallas_src>
import functools

import jax
import jax.numpy as jnp
from jax import lax
from jax.experimental import pallas as pl
from jax.experimental.pallas import tpu as pltpu
from jax.experimental.pallas import tpu_sc as plsc

_L = 128
_RING = 2
_BLK = 80


@functools.lru_cache(maxsize=None)
def _build_gather(B, D):
    info = plsc.get_sparse_core_info()
    NC, NS = info.num_cores, info.num_subcores
    NW = NC * NS
    FR = B // _L
    assert B % _L == 0 and FR % NW == 0
    fr_per_w = FR // NW
    assert fr_per_w % _BLK == 0 and _BLK % _RING == 0
    n_blocks = fr_per_w // _BLK
    n_groups = _BLK // _RING

    mesh = plsc.VectorSubcoreMesh(core_axis_name="c", subcore_axis_name="s")

    @functools.partial(
        pl.kernel,
        mesh=mesh,
        out_type=jax.ShapeDtypeStruct((B, D), jnp.float32),
        scratch_types=[
            pltpu.VMEM((_BLK, _L), jnp.int32),
            [pltpu.VMEM((_L, 2 * D), jnp.float32) for _ in range(_RING)],
            [pltpu.VMEM((_L, D), jnp.float32) for _ in range(_RING)],
            pltpu.VMEM_SHARED((2048, 2 * D), jnp.float32),
            [pltpu.SemaphoreType.DMA for _ in range(_RING)],
            [pltpu.SemaphoreType.DMA for _ in range(_RING)],
        ],
        compiler_params=pltpu.CompilerParams(use_tc_tiling_on_sc=True),
    )
    def gather_kernel(idx_hbm, table_hbm, out_hbm, idx_v, rows, cmp,
                      shared_tab, sg, sw):
        wid = lax.axis_index("s") * NC + lax.axis_index("c")
        base_fr = wid * fr_per_w

        @pl.when(lax.axis_index("s") == 0)
        def _():
            pltpu.sync_copy(table_hbm, shared_tab)

        plsc.subcore_barrier()

        def block(bi, carry):
            fr0 = base_fr + bi * _BLK
            pltpu.sync_copy(idx_hbm.at[pl.ds(fr0, _BLK)], idx_v)

            def group(q, carry):
                r0 = q * _RING

                @pl.when(q > 0)
                def _():
                    for j in range(_RING):
                        pltpu.make_async_copy(
                            cmp[j], out_hbm.at[pl.ds((fr0 + r0 - _RING + j)
                                                     * _L, _L)], sw[j]).wait()

                for j in range(_RING):
                    pltpu.async_copy(shared_tab.at[idx_v.at[r0 + j]], rows[j],
                                     sg[j])
                for j in range(_RING):
                    fr = fr0 + r0 + j
                    pltpu.make_async_copy(shared_tab.at[idx_v.at[r0 + j]],
                                          rows[j], sg[j]).wait()

                    def compact(i, c, rj=rows[j], cj=cmp[j]):
                        r4 = i * 8
                        for rr in range(8):
                            for cc in range(D // 16):
                                cj[r4 + rr, pl.ds(cc * 16, 16)] = \
                                    rj[r4 + rr, pl.ds(cc * 16, 16)]
                        return c

                    lax.fori_loop(0, _L // 8, compact, 0)
                    pltpu.async_copy(cmp[j], out_hbm.at[pl.ds(fr * _L, _L)],
                                     sw[j])
                return carry

            lax.fori_loop(0, n_groups, group, 0)
            for j in range(_RING):
                fr = fr0 + _BLK - _RING + j
                pltpu.make_async_copy(cmp[j],
                                      out_hbm.at[pl.ds(fr * _L, _L)],
                                      sw[j]).wait()
            return carry

        lax.fori_loop(0, n_blocks, block, 0)

    return gather_kernel


def kernel(x, table):
    bsz, hist = x.shape
    d = table.shape[1]
    b = bsz * hist
    idx = x.reshape(b // _L, _L).astype(jnp.int32)
    tab2 = jnp.concatenate([table, table], axis=1)
    out = _build_gather(b, d)(idx, tab2)
    return out.reshape(bsz, hist, d)

# --- scband reference (transcript-rebuilt; emitter-appended) ---
"""Pipeline reference for scband-position-embedding-6768868458535 (READ-ONLY COPY).

The authoritative reference and input builder live on the scoring server;
editing this copy changes nothing except your own understanding.
"""

import jax, jax.numpy as jnp
import numpy as np

MAX_SEQ_LEN = 2048
HIDDEN_SIZE = 64
BATCH = 16384
HIST_LEN = 200

def setup_inputs(seed: int = 0) -> dict:
    key = jax.random.key(seed)
    k1, k2 = jax.random.split(key)
    x = jax.random.randint(k1, (BATCH, HIST_LEN), 0, MAX_SEQ_LEN, dtype=jnp.int64 if jax.config.read('jax_enable_x64') else jnp.int32)
    table = jax.random.normal(k2, (MAX_SEQ_LEN, HIDDEN_SIZE), dtype=jnp.float32)
    return {"x": x, "table": table}

def reference(x, table):
    # nn.Embedding forward: gather rows of the position embedding table
    return jnp.take(table, x, axis=0)

if __name__ == "__main__":
    import jax
    _d = setup_inputs()
    print(jax.jit(kernel)(*tuple(_d.values())))

</pallas_src>

<mosaic_0001>
#map = affine_map<(d0, d1) -> (0, 0)>
module attributes {stable_mosaic.version = 14 : i64} {
  func.func @gather_kernel(%arg0: i32, %arg1: i32, %arg2: memref<25600x128xi32, #tpu.memory_space<hbm>>, %arg3: memref<2048x128xf32, #tpu.memory_space<hbm>>, %arg4: memref<3276800x64xf32, #tpu.memory_space<hbm>>, %arg5: memref<80x128xi32, #tpu.memory_space<vmem>>, %arg6: memref<128x128xf32, #tpu.memory_space<vmem>>, %arg7: memref<128x128xf32, #tpu.memory_space<vmem>>, %arg8: memref<128x64xf32, #tpu.memory_space<vmem>>, %arg9: memref<128x64xf32, #tpu.memory_space<vmem>>, %arg10: memref<2048x128xf32, #tpu.memory_space<vmem_shared>>, %arg11: memref<!tpu.dma_semaphore, #tpu.memory_space<semaphore_mem>>, %arg12: memref<!tpu.dma_semaphore, #tpu.memory_space<semaphore_mem>>, %arg13: memref<!tpu.dma_semaphore, #tpu.memory_space<semaphore_mem>>, %arg14: memref<!tpu.dma_semaphore, #tpu.memory_space<semaphore_mem>>) attributes {dimension_semantics = [#tpu.dimension_semantics<core_parallel>, #tpu.dimension_semantics<subcore_parallel>], iteration_bounds = array<i64: 2, 16>, scalar_prefetch = 0 : i64, scratch_operands = 10 : i64, tpu.core_type = #tpu.core_type<sc_vector_subcore>, window_params = [{transform_indices = #map}, {transform_indices = #map}, {transform_indices = #map}]} {
    %mul3A = arith.constant 2 : i32
    %mul3A_0 = arith.muli %arg1, %mul3A : i32
    %add3A = arith.addi %mul3A_0, %arg0 : i32
    %mul3A_1 = arith.constant 800 : i32
    %mul3A_2 = arith.muli %add3A, %mul3A_1 : i32
    %eq3A = arith.constant 0 : i32
    %eq3A_3 = arith.cmpi eq, %arg1, %eq3A : i32
    %convert_element_type3A = arith.extui %eq3A_3 : i1 to i32
    %cond3A = arith.constant 0 : i32
    %cond3A_4 = arith.cmpi ne, %convert_element_type3A, %cond3A : i32
    scf.if %cond3A_4 {
      "tpu.region"() ({
        %run_scoped3A = tpu.sem_alloc : memref<!tpu.dma_semaphore, #tpu.memory_space<semaphore_mem>>
        tpu.enqueue_dma source(%arg3 : memref<2048x128xf32, #tpu.memory_space<hbm>>) target(%arg10 : memref<2048x128xf32, #tpu.memory_space<vmem_shared>>) target_semaphore(%run_scoped3A : memref<!tpu.dma_semaphore, #tpu.memory_space<semaphore_mem>>)
        tpu.wait_dma2 semaphore(%run_scoped3A : memref<!tpu.dma_semaphore, #tpu.memory_space<semaphore_mem>>) src(%arg3 : memref<2048x128xf32, #tpu.memory_space<hbm>>) dst(%arg10 : memref<2048x128xf32, #tpu.memory_space<vmem_shared>>)
        tpu.yield
      }) : () -> ()
    } else {
    }
    %barrier3A = arith.constant 0 : index
    tpu.barrier barrier_id(%barrier3A)
    %scan3A = arith.constant 0 : i32
    %scan3A_5 = arith.constant 0 : i32
    %scan3A_6 = arith.constant 10 : i32
    %scan3A_7 = arith.addi %scan3A_5, %scan3A_6 : i32
    %scan3A_8 = arith.constant 1 : i32
    scf.for %scan3A_10 = %scan3A_5 to %scan3A_7 step %scan3A_8  : i32 {
      %mul3A_11 = arith.constant 80 : i32
      %mul3A_12 = arith.muli %scan3A_10, %mul3A_11 : i32
      %add3A_13 = arith.addi %mul3A_2, %mul3A_12 : i32
      "tpu.region"() ({
        %run_scoped3A = tpu.sem_alloc : memref<!tpu.dma_semaphore, #tpu.memory_space<semaphore_mem>>
        %dma_start3A = arith.constant 0 : i32
        %dma_start3A_42 = tpu.memref_slice %arg2[%add3A_13, %dma_start3A] : memref<25600x128xi32, #tpu.memory_space<hbm>> -> memref<80x128xi32, #tpu.memory_space<hbm>>
        %dma_start3A_43 = arith.constant 0 : i32
        %dma_start3A_44 = tpu.memref_slice %arg2[%add3A_13, %dma_start3A_43] : memref<25600x128xi32, #tpu.memory_space<hbm>> -> memref<80x128xi32, #tpu.memory_space<hbm>>
        tpu.enqueue_dma source(%dma_start3A_44 : memref<80x128xi32, #tpu.memory_space<hbm>>) target(%arg5 : memref<80x128xi32, #tpu.memory_space<vmem>>) target_semaphore(%run_scoped3A : memref<!tpu.dma_semaphore, #tpu.memory_space<semaphore_mem>>)
        %dma_wait3A_45 = arith.constant 0 : i32
        %dma_wait3A_46 = tpu.memref_slice %arg2[%add3A_13, %dma_wait3A_45] : memref<25600x128xi32, #tpu.memory_space<hbm>> -> memref<80x128xi32, #tpu.memory_space<hbm>>
        %dma_wait3A_47 = arith.constant 0 : i32
        %dma_wait3A_48 = tpu.memref_slice %arg2[%add3A_13, %dma_wait3A_47] : memref<25600x128xi32, #tpu.memory_space<hbm>> -> memref<80x128xi32, #tpu.memory_space<hbm>>
        tpu.wait_dma2 semaphore(%run_scoped3A : memref<!tpu.dma_semaphore, #tpu.memory_space<semaphore_mem>>) src(%dma_wait3A_48 : memref<80x128xi32, #tpu.memory_space<hbm>>) dst(%arg5 : memref<80x128xi32, #tpu.memory_space<vmem>>)
        tpu.yield
      }) : () -> ()
      %scan3A_14 = arith.constant 0 : i32
      %scan3A_15 = arith.constant 0 : i32
      %scan3A_16 = arith.constant 40 : i32
      %scan3A_17 = arith.addi %scan3A_15, %scan3A_16 : i32
      %scan3A_18 = arith.constant 1 : i32
      scf.for %scan3A_42 = %scan3A_15 to %scan3A_17 step %scan3A_18  : i32 {
        %mul3A_43 = arith.constant 2 : i32
        %mul3A_44 = arith.muli %scan3A_42, %mul3A_43 : i32
        %gt3A = arith.constant 0 : i32
        %gt3A_45 = arith.cmpi sgt, %scan3A_42, %gt3A : i32
        %convert_element_type3A_46 = arith.extui %gt3A_45 : i1 to i32
        %cond3A_47 = arith.constant 0 : i32
        %cond3A_48 = arith.cmpi ne, %convert_element_type3A_46, %cond3A_47 : i32
        scf.if %cond3A_48 {
          %add3A_110 = arith.addi %add3A_13, %mul3A_44 : i32
          %sub3A_111 = arith.constant 2 : i32
          %sub3A_112 = arith.subi %add3A_110, %sub3A_111 : i32
          %add3A_113 = arith.constant 0 : i32
          %add3A_114 = arith.addi %sub3A_112, %add3A_113 : i32
          %mul3A_115 = arith.constant 128 : i32
          %mul3A_116 = arith.muli %add3A_114, %mul3A_115 : i32
          %dma_wait3A_117 = arith.constant 0 : i32
          %dma_wait3A_118 = tpu.memref_slice %arg4[%mul3A_116, %dma_wait3A_117] : memref<3276800x64xf32, #tpu.memory_space<hbm>> -> memref<128x64xf32, #tpu.memory_space<hbm>>
          %dma_wait3A_119 = arith.constant 0 : i32
          %dma_wait3A_120 = tpu.memref_slice %arg4[%mul3A_116, %dma_wait3A_119] : memref<3276800x64xf32, #tpu.memory_space<hbm>> -> memref<128x64xf32, #tpu.memory_space<hbm>>
          tpu.wait_dma2 semaphore(%arg13 : memref<!tpu.dma_semaphore, #tpu.memory_space<semaphore_mem>>) src(%arg8 : memref<128x64xf32, #tpu.memory_space<vmem>>) dst(%dma_wait3A_120 : memref<128x64xf32, #tpu.memory_space<hbm>>)
          %add3A_121 = arith.addi %add3A_13, %mul3A_44 : i32
          %sub3A_122 = arith.constant 2 : i32
          %sub3A_123 = arith.subi %add3A_121, %sub3A_122 : i32
          %add3A_124 = arith.constant 1 : i32
          %add3A_125 = arith.addi %sub3A_123, %add3A_124 : i32
          %mul3A_126 = arith.constant 128 : i32
          %mul3A_127 = arith.muli %add3A_125, %mul3A_126 : i32
          %dma_wait3A_128 = arith.constant 0 : i32
          %dma_wait3A_129 = tpu.memref_slice %arg4[%mul3A_127, %dma_wait3A_128] : memref<3276800x64xf32, #tpu.memory_space<hbm>> -> memref<128x64xf32, #tpu.memory_space<hbm>>
          %dma_wait3A_130 = arith.constant 0 : i32
          %dma_wait3A_131 = tpu.memref_slice %arg4[%mul3A_127, %dma_wait3A_130] : memref<3276800x64xf32, #tpu.memory_space<hbm>> -> memref<128x64xf32, #tpu.memory_space<hbm>>
          tpu.wait_dma2 semaphore(%arg14 : memref<!tpu.dma_semaphore, #tpu.memory_space<semaphore_mem>>) src(%arg9 : memref<128x64xf32, #tpu.memory_space<vmem>>) dst(%dma_wait3A_131 : memref<128x64xf32, #tpu.memory_space<hbm>>)
        } else {
        }
        %add3A_49 = arith.constant 0 : i32
        %add3A_50 = arith.addi %mul3A_44, %add3A_49 : i32
        %dma_start3A = arith.constant 0 : i32
        %dma_start3A_51 = tpu.memref_slice %arg5[%add3A_50, %dma_start3A] : memref<80x128xi32, #tpu.memory_space<vmem>> -> memref<1x128xi32, #tpu.memory_space<vmem>>
        %dma_start3A_52 = tpu.memref_squeeze %dma_start3A_51 : memref<1x128xi32, #tpu.memory_space<vmem>> -> memref<128xi32, #tpu.memory_space<vmem>>
        %dma_start3A_53 = arith.constant 0 : i32
        %dma_start3A_54 = arith.constant 0 : i32
        %dma_start3A_55 = tpu.memref_slice %arg10[%dma_start3A_53, %dma_start3A_54] : memref<2048x128xf32, #tpu.memory_space<vmem_shared>> -> memref<2048x128xf32, #tpu.memory_space<vmem_shared>>
        tpu.enqueue_indirect_dma source(%dma_start3A_55 : memref<2048x128xf32, #tpu.memory_space<vmem_shared>>) target(%arg6 : memref<128x128xf32, #tpu.memory_space<vmem>>) offsets(%dma_start3A_52 : memref<128xi32, #tpu.memory_space<vmem>>) semaphore(%arg11 : memref<!tpu.dma_semaphore, #tpu.memory_space<semaphore_mem>>)
        %add3A_56 = arith.constant 1 : i32
        %add3A_57 = arith.addi %mul3A_44, %add3A_56 : i32
        %dma_start3A_58 = arith.constant 0 : i32
        %dma_start3A_59 = tpu.memref_slice %arg5[%add3A_57, %dma_start3A_58] : memref<80x128xi32, #tpu.memory_space<vmem>> -> memref<1x128xi32, #tpu.memory_space<vmem>>
        %dma_start3A_60 = tpu.memref_squeeze %dma_start3A_59 : memref<1x128xi32, #tpu.memory_space<vmem>> -> memref<128xi32, #tpu.memory_space<vmem>>
        %dma_start3A_61 = arith.constant 0 : i32
        %dma_start3A_62 = arith.constant 0 : i32
        %dma_start3A_63 = tpu.memref_slice %arg10[%dma_start3A_61, %dma_start3A_62] : memref<2048x128xf32, #tpu.memory_space<vmem_shared>> -> memref<2048x128xf32, #tpu.memory_space<vmem_shared>>
        tpu.enqueue_indirect_dma source(%dma_start3A_63 : memref<2048x128xf32, #tpu.memory_space<vmem_shared>>) target(%arg7 : memref<128x128xf32, #tpu.memory_space<vmem>>) offsets(%dma_start3A_60 : memref<128xi32, #tpu.memory_space<vmem>>) semaphore(%arg12 : memref<!tpu.dma_semaphore, #tpu.memory_space<semaphore_mem>>)
        %add3A_64 = arith.addi %add3A_13, %mul3A_44 : i32
        %add3A_65 = arith.constant 0 : i32
        %add3A_66 = arith.addi %add3A_64, %add3A_65 : i32
        %add3A_67 = arith.constant 0 : i32
        %add3A_68 = arith.addi %mul3A_44, %add3A_67 : i32
        %dma_wait3A_69 = arith.constant 0 : i32
        %dma_wait3A_70 = tpu.memref_slice %arg5[%add3A_68, %dma_wait3A_69] : memref<80x128xi32, #tpu.memory_space<vmem>> -> memref<1x128xi32, #tpu.memory_space<vmem>>
        %dma_wait3A_71 = tpu.memref_squeeze %dma_wait3A_70 : memref<1x128xi32, #tpu.memory_space<vmem>> -> memref<128xi32, #tpu.memory_space<vmem>>
        %dma_wait3A_72 = arith.constant 0 : i32
        %dma_wait3A_73 = arith.constant 0 : i32
        %dma_wait3A_74 = tpu.memref_slice %arg10[%dma_wait3A_72, %dma_wait3A_73] : memref<2048x128xf32, #tpu.memory_space<vmem_shared>> -> memref<2048x128xf32, #tpu.memory_space<vmem_shared>>
        tpu.wait_indirect_dma semaphore(%arg11 : memref<!tpu.dma_semaphore, #tpu.memory_space<semaphore_mem>>) src(%dma_wait3A_74 : memref<2048x128xf32, #tpu.memory_space<vmem_shared>>) dst(%arg6 : memref<128x128xf32, #tpu.memory_space<vmem>>)
        %scan3A_75 = arith.constant 0 : i32
        %scan3A_76 = arith.constant 0 : i32
        %scan3A_77 = arith.constant 16 : i32
        %scan3A_78 = arith.addi %scan3A_76, %scan3A_77 : i32
        %scan3A_79 = arith.constant 1 : i32
        scf.for %scan3A_110 = %scan3A_76 to %scan3A_78 step %scan3A_79  : i32 {
          %mul3A_111 = arith.constant 8 : i32
          %mul3A_112 = arith.muli %scan3A_110, %mul3A_111 : i32
          %add3A_113 = arith.constant 0 : i32
          %add3A_114 = arith.addi %mul3A_112, %add3A_113 : i32
          %get3A = arith.index_cast %add3A_114 : i32 to index
          %get3A_115 = arith.constant 0 : index
          %get3A_116 = tpu.vector_load %arg6[%get3A, %get3A_115] {strides = array<i32>} : memref<128x128xf32, #tpu.memory_space<vmem>>, vector<1x16xf32>,
          %get3A_117 = vector.shape_cast %get3A_116 : vector<1x16xf32> to vector<16xf32>
          %add3A_118 = arith.constant 0 : i32
          %add3A_119 = arith.addi %mul3A_112, %add3A_118 : i32
          %swap3A = arith.index_cast %add3A_119 : i32 to index
          %swap3A_120 = arith.constant 0 : index
          %swap3A_121 = tpu.vector_load %arg8[%swap3A, %swap3A_120] {strides = array<i32>} : memref<128x64xf32, #tpu.memory_space<vmem>>, vector<1x16xf32>,
          %swap3A_122 = vector.shape_cast %swap3A_121 : vector<1x16xf32> to vector<16xf32>
          %swap3A_123 = vector.shape_cast %get3A_117 : vector<16xf32> to vector<1x16xf32>
          tpu.vector_store %arg8[%swap3A, %swap3A_120], %swap3A_123 {strides = array<i32>} : memref<128x64xf32, #tpu.memory_space<vmem>>, vector<1x16xf32>,
          %add3A_124 = arith.constant 0 : i32
          %add3A_125 = arith.addi %mul3A_112, %add3A_124 : i32
          %get3A_126 = arith.index_cast %add3A_125 : i32 to index
          %get3A_127 = arith.constant 16 : index
          %get3A_128 = tpu.vector_load %arg6[%get3A_126, %get3A_127] {strides = array<i32>} : memref<128x128xf32, #tpu.memory_space<vmem>>, vector<1x16xf32>,
          %get3A_129 = vector.shape_cast %get3A_128 : vector<1x16xf32> to vector<16xf32>
          %add3A_130 = arith.constant 0 : i32
          %add3A_131 = arith.addi %mul3A_112, %add3A_130 : i32
          %swap3A_132 = arith.index_cast %add3A_131 : i32 to index
          %swap3A_133 = arith.constant 16 : index
          %swap3A_134 = tpu.vector_load %arg8[%swap3A_132, %swap3A_133] {strides = array<i32>} : memref<128x64xf32, #tpu.memory_space<vmem>>, vector<1x16xf32>,
          %swap3A_135 = vector.shape_cast %swap3A_134 : vector<1x16xf32> to vector<16xf32>
          %swap3A_136 = vector.shape_cast %get3A_129 : vector<16xf32> to vector<1x16xf32>
          tpu.vector_store %arg8[%swap3A_132, %swap3A_133], %swap3A_136 {strides = array<i32>} : memref<128x64xf32, #tpu.memory_space<vmem>>, vector<1x16xf32>,
          %add3A_137 = arith.constant 0 : i32
          %add3A_138 = arith.addi %mul3A_112, %add3A_137 : i32
          %get3A_139 = arith.index_cast %add3A_138 : i32 to index
          %get3A_140 = arith.constant 32 : index
          %get3A_141 = tpu.vector_load %arg6[%get3A_139, %get3A_140] {strides = array<i32>} : memref<128x128xf32, #tpu.memory_space<vmem>>, vector<1x16xf32>,
          %get3A_142 = vector.shape_cast %get3A_141 : vector<1x16xf32> to vector<16xf32>
          %add3A_143 = arith.constant 0 : i32
          %add3A_144 = arith.addi %mul3A_112, %add3A_143 : i32
          %swap3A_145 = arith.index_cast %add3A_144 : i32 to index
          %swap3A_146 = arith.constant 32 : index
          %swap3A_147 = tpu.vector_load %arg8[%swap3A_145, %swap3A_146] {strides = array<i32>} : memref<128x64xf32, #tpu.memory_space<vmem>>, vector<1x16xf32>,
          %swap3A_148 = vector.shape_cast %swap3A_147 : vector<1x16xf32> to vector<16xf32>
          %swap3A_149 = vector.shape_cast %get3A_142 : vector<16xf32> to vector<1x16xf32>
          tpu.vector_store %arg8[%swap3A_145, %swap3A_146], %swap3A_149 {strides = array<i32>} : memref<128x64xf32, #tpu.memory_space<vmem>>, vector<1x16xf32>,
          %add3A_150 = arith.constant 0 : i32
          %add3A_151 = arith.addi %mul3A_112, %add3A_150 : i32
          %get3A_152 = arith.index_cast %add3A_151 : i32 to index
          %get3A_153 = arith.constant 48 : index
          %get3A_154 = tpu.vector_load %arg6[%get3A_152, %get3A_153] {strides = array<i32>} : memref<128x128xf32, #tpu.memory_space<vmem>>, vector<1x16xf32>,
          %get3A_155 = vector.shape_cast %get3A_154 : vector<1x16xf32> to vector<16xf32>
          %add3A_156 = arith.constant 0 : i32
          %add3A_157 = arith.addi %mul3A_112, %add3A_156 : i32
          %swap3A_158 = arith.index_cast %add3A_157 : i32 to index
          %swap3A_159 = arith.constant 48 : index
          %swap3A_160 = tpu.vector_load %arg8[%swap3A_158, %swap3A_159] {strides = array<i32>} : memref<128x64xf32, #tpu.memory_space<vmem>>, vector<1x16xf32>,
          %swap3A_161 = vector.shape_cast %swap3A_160 : vector<1x16xf32> to vector<16xf32>
          %swap3A_162 = vector.shape_cast %get3A_155 : vector<16xf32> to vector<1x16xf32>
          tpu.vector_store %arg8[%swap3A_158, %swap3A_159], %swap3A_162 {strides = array<i32>} : memref<128x64xf32, #tpu.memory_space<vmem>>, vector<1x16xf32>,
          %add3A_163 = arith.constant 1 : i32
          %add3A_164 = arith.addi %mul3A_112, %add3A_163 : i32
          %get3A_165 = arith.index_cast %add3A_164 : i32 to index
          %get3A_166 = arith.constant 0 : index
          %get3A_167 = tpu.vector_load %arg6[%get3A_165, %get3A_166] {strides = array<i32>} : memref<128x128xf32, #tpu.memory_space<vmem>>, vector<1x16xf32>,
          %get3A_168 = vector.shape_cast %get3A_167 : vector<1x16xf32> to vector<16xf32>
          %add3A_169 = arith.constant 1 : i32
          %add3A_170 = arith.addi %mul3A_112, %add3A_169 : i32
          %swap3A_171 = arith.index_cast %add3A_170 : i32 to index
          %swap3A_172 = arith.constant 0 : index
          %swap3A_173 = tpu.vector_load %arg8[%swap3A_171, %swap3A_172] {strides = array<i32>} : memref<128x64xf32, #tpu.memory_space<vmem>>, vector<1x16xf32>,
          %swap3A_174 = vector.shape_cast %swap3A_173 : vector<1x16xf32> to vector<16xf32>
          %swap3A_175 = vector.shape_cast %get3A_168 : vector<16xf32> to vector<1x16xf32>
          tpu.vector_store %arg8[%swap3A_171, %swap3A_172], %swap3A_175 {strides = array<i32>} : memref<128x64xf32, #tpu.memory_space<vmem>>, vector<1x16xf32>,
          %add3A_176 = arith.constant 1 : i32
          %add3A_177 = arith.addi %mul3A_112, %add3A_176 : i32
          %get3A_178 = arith.index_cast %add3A_177 : i32 to index
          %get3A_179 = arith.constant 16 : index
          %get3A_180 = tpu.vector_load %arg6[%get3A_178, %get3A_179] {strides = array<i32>} : memref<128x128xf32, #tpu.memory_space<vmem>>, vector<1x16xf32>,
          %get3A_181 = vector.shape_cast %get3A_180 : vector<1x16xf32> to vector<16xf32>
          %add3A_182 = arith.constant 1 : i32
          %add3A_183 = arith.addi %mul3A_112, %add3A_182 : i32
          %swap3A_184 = arith.index_cast %add3A_183 : i32 to index
          %swap3A_185 = arith.constant 16 : index
          %swap3A_186 = tpu.vector_load %arg8[%swap3A_184, %swap3A_185] {strides = array<i32>} : memref<128x64xf32, #tpu.memory_space<vmem>>, vector<1x16xf32>,
          %swap3A_187 = vector.shape_cast %swap3A_186 : vector<1x16xf32> to vector<16xf32>
          %swap3A_188 = vector.shape_cast %get3A_181 : vector<16xf32> to vector<1x16xf32>
          tpu.vector_store %arg8[%swap3A_184, %swap3A_185], %swap3A_188 {strides = array<i32>} : memref<128x64xf32, #tpu.memory_space<vmem>>, vector<1x16xf32>,
          %add3A_189 = arith.constant 1 : i32
          %add3A_190 = arith.addi %mul3A_112, %add3A_189 : i32
          %get3A_191 = arith.index_cast %add3A_190 : i32 to index
          %get3A_192 = arith.constant 32 : index
          %get3A_193 = tpu.vector_load %arg6[%get3A_191, %get3A_192] {strides = array<i32>} : memref<128x128xf32, #tpu.memory_space<vmem>>, vector<1x16xf32>,
          %get3A_194 = vector.shape_cast %get3A_193 : vector<1x16xf32> to vector<16xf32>
          %add3A_195 = arith.constant 1 : i32
          %add3A_196 = arith.addi %mul3A_112, %add3A_195 : i32
          %swap3A_197 = arith.index_cast %add3A_196 : i32 to index
          %swap3A_198 = arith.constant 32 : index
          %swap3A_199 = tpu.vector_load %arg8[%swap3A_197, %swap3A_198] {strides = array<i32>} : memref<128x64xf32, #tpu.memory_space<vmem>>, vector<1x16xf32>,
          %swap3A_200 = vector.shape_cast %swap3A_199 : vector<1x16xf32> to vector<16xf32>
          %swap3A_201 = vector.shape_cast %get3A_194 : vector<16xf32> to vector<1x16xf32>
          tpu.vector_store %arg8[%swap3A_197, %swap3A_198], %swap3A_201 {strides = array<i32>} : memref<128x64xf32, #tpu.memory_space<vmem>>, vector<1x16xf32>,
          %add3A_202 = arith.constant 1 : i32
          %add3A_203 = arith.addi %mul3A_112, %add3A_202 : i32
          %get3A_204 = arith.index_cast %add3A_203 : i32 to index
          %get3A_205 = arith.constant 48 : index
          %get3A_206 = tpu.vector_load %arg6[%get3A_204, %get3A_205] {strides = array<i32>} : memref<128x128xf32, #tpu.memory_space<vmem>>, vector<1x16xf32>,
          %get3A_207 = vector.shape_cast %get3A_206 : vector<1x16xf32> to vector<16xf32>
          %add3A_208 = arith.constant 1 : i32
          %add3A_209 = arith.addi %mul3A_112, %add3A_208 : i32
          %swap3A_210 = arith.index_cast %add3A_209 : i32 to index
          %swap3A_211 = arith.constant 48 : index
          %swap3A_212 = tpu.vector_load %arg8[%swap3A_210, %swap3A_211] {strides = array<i32>} : memref<128x64xf32, #tpu.memory_space<vmem>>, vector<1x16xf32>,
          %swap3A_213 = vector.shape_cast %swap3A_212 : vector<1x16xf32> to vector<16xf32>
          %swap3A_214 = vector.shape_cast %get3A_207 : vector<16xf32> to vector<1x16xf32>
          tpu.vector_store %arg8[%swap3A_210, %swap3A_211], %swap3A_214 {strides = array<i32>} : memref<128x64xf32, #tpu.memory_space<vmem>>, vector<1x16xf32>,
          %add3A_215 = arith.constant 2 : i32
          %add3A_216 = arith.addi %mul3A_112, %add3A_215 : i32
          %get3A_217 = arith.index_cast %add3A_216 : i32 to index
          %get3A_218 = arith.constant 0 : index
          %get3A_219 = tpu.vector_load %arg6[%get3A_217, %get3A_218] {strides = array<i32>} : memref<128x128xf32, #tpu.memory_space<vmem>>, vector<1x16xf32>,
          %get3A_220 = vector.shape_cast %get3A_219 : vector<1x16xf32> to vector<16xf32>
          %add3A_221 = arith.constant 2 : i32
          %add3A_222 = arith.addi %mul3A_112, %add3A_221 : i32
          %swap3A_223 = arith.index_cast %add3A_222 : i32 to index
          %swap3A_224 = arith.constant 0 : index
          %swap3A_225 = tpu.vector_load %arg8[%swap3A_223, %swap3A_224] {strides = array<i32>} : memref<128x64xf32, #tpu.memory_space<vmem>>, vector<1x16xf32>,
          %swap3A_226 = vector.shape_cast %swap3A_225 : vector<1x16xf32> to vector<16xf32>
          %swap3A_227 = vector.shape_cast %get3A_220 : vector<16xf32> to vector<1x16xf32>
          tpu.vector_store %arg8[%swap3A_223, %swap3A_224], %swap3A_227 {strides = array<i32>} : memref<128x64xf32, #tpu.memory_space<vmem>>, vector<1x16xf32>,
          %add3A_228 = arith.constant 2 : i32
          %add3A_229 = arith.addi %mul3A_112, %add3A_228 : i32
          %get3A_230 = arith.index_cast %add3A_229 : i32 to index
          %get3A_231 = arith.constant 16 : index
          %get3A_232 = tpu.vector_load %arg6[%get3A_230, %get3A_231] {strides = array<i32>} : memref<128x128xf32, #tpu.memory_space<vmem>>, vector<1x16xf32>,
          %get3A_233 = vector.shape_cast %get3A_232 : vector<1x16xf32> to vector<16xf32>
          %add3A_234 = arith.constant 2 : i32
          %add3A_235 = arith.addi %mul3A_112, %add3A_234 : i32
          %swap3A_236 = arith.index_cast %add3A_235 : i32 to index
          %swap3A_237 = arith.constant 16 : index
          %swap3A_238 = tpu.vector_load %arg8[%swap3A_236, %swap3A_237] {strides = array<i32>} : memref<128x64xf32, #tpu.memory_space<vmem>>, vector<1x16xf32>,
          %swap3A_239 = vector.shape_cast %swap3A_238 : vector<1x16xf32> to vector<16xf32>
          %swap3A_240 = vector.shape_cast %get3A_233 : vector<16xf32> to vector<1x16xf32>
          tpu.vector_store %arg8[%swap3A_236, %swap3A_237], %swap3A_240 {strides = array<i32>} : memref<128x64xf32, #tpu.memory_space<vmem>>, vector<1x16xf32>,
          %add3A_241 = arith.constant 2 : i32
          %add3A_242 = arith.addi %mul3A_112, %add3A_241 : i32
          %get3A_243 = arith.index_cast %add3A_242 : i32 to index
          %get3A_244 = arith.constant 32 : index
          %get3A_245 = tpu.vector_load %arg6[%get3A_243, %get3A_244] {strides = array<i32>} : memref<128x128xf32, #tpu.memory_space<vmem>>, vector<1x16xf32>,
          %get3A_246 = vector.shape_cast %get3A_245 : vector<1x16xf32> to vector<16xf32>
          %add3A_247 = arith.constant 2 : i32
          %add3A_248 = arith.addi %mul3A_112, %add3A_247 : i32
          %swap3A_249 = arith.index_cast %add3A_248 : i32 to index
          %swap3A_250 = arith.constant 32 : index
          %swap3A_251 = tpu.vector_load %arg8[%swap3A_249, %swap3A_250] {strides = array<i32>} : memref<128x64xf32, #tpu.memory_space<vmem>>, vector<1x16xf32>,
          %swap3A_252 = vector.shape_cast %swap3A_251 : vector<1x16xf32> to vector<16xf32>
          %swap3A_253 = vector.shape_cast %get3A_246 : vector<16xf32> to vector<1x16xf32>
          tpu.vector_store %arg8[%swap3A_249, %swap3A_250], %swap3A_253 {strides = array<i32>} : memref<128x64xf32, #tpu.memory_space<vmem>>, vector<1x16xf32>,
          %add3A_254 = arith.constant 2 : i32
          %add3A_255 = arith.addi %mul3A_112, %add3A_254 : i32
          %get3A_256 = arith.index_cast %add3A_255 : i32 to index
          %get3A_257 = arith.constant 48 : index
          %get3A_258 = tpu.vector_load %arg6[%get3A_256, %get3A_257] {strides = array<i32>} : memref<128x128xf32, #tpu.memory_space<vmem>>, vector<1x16xf32>,
          %get3A_259 = vector.shape_cast %get3A_258 : vector<1x16xf32> to vector<16xf32>
          %add3A_260 = arith.constant 2 : i32
          %add3A_261 = arith.addi %mul3A_112, %add3A_260 : i32
          %swap3A_262 = arith.index_cast %add3A_261 : i32 to index
          %swap3A_263 = arith.constant 48 : index
          %swap3A_264 = tpu.vector_load %arg8[%swap3A_262, %swap3A_263] {strides = array<i32>} : memref<128x64xf32, #tpu.memory_space<vmem>>, vector<1x16xf32>,
          %swap3A_265 = vector.shape_cast %swap3A_264 : vector<1x16xf32> to vector<16xf32>
          %swap3A_266 = vector.shape_cast %get3A_259 : vector<16xf32> to vector<1x16xf32>
          tpu.vector_store %arg8[%swap3A_262, %swap3A_263], %swap3A_266 {strides = array<i32>} : memref<128x64xf32, #tpu.memory_space<vmem>>, vector<1x16xf32>,
          %add3A_267 = arith.constant 3 : i32
          %add3A_268 = arith.addi %mul3A_112, %add3A_267 : i32
          %get3A_269 = arith.index_cast %add3A_268 : i32 to index
          %get3A_270 = arith.constant 0 : index
          %get3A_271 = tpu.vector_load %arg6[%get3A_269, %get3A_270] {strides = array<i32>} : memref<128x128xf32, #tpu.memory_space<vmem>>, vector<1x16xf32>,
          %get3A_272 = vector.shape_cast %get3A_271 : vector<1x16xf32> to vector<16xf32>
          %add3A_273 = arith.constant 3 : i32
          %add3A_274 = arith.addi %mul3A_112, %add3A_273 : i32
          %swap3A_275 = arith.index_cast %add3A_274 : i32 to index
          %swap3A_276 = arith.constant 0 : index
          %swap3A_277 = tpu.vector_load %arg8[%swap3A_275, %swap3A_276] {strides = array<i32>} : memref<128x64xf32, #tpu.memory_space<vmem>>, vector<1x16xf32>,
          %swap3A_278 = vector.shape_cast %swap3A_277 : vector<1x16xf32> to vector<16xf32>
          %swap3A_279 = vector.shape_cast %get3A_272 : vector<16xf32> to vector<1x16xf32>
          tpu.vector_store %arg8[%swap3A_275, %swap3A_276], %swap3A_279 {strides = array<i32>} : memref<128x64xf32, #tpu.memory_space<vmem>>, vector<1x16xf32>,
          %add3A_280 = arith.constant 3 : i32
          %add3A_281 = arith.addi %mul3A_112, %add3A_280 : i32
          %get3A_282 = arith.index_cast %add3A_281 : i32 to index
          %get3A_283 = arith.constant 16 : index
          %get3A_284 = tpu.vector_load %arg6[%get3A_282, %get3A_283] {strides = array<i32>} : memref<128x128xf32, #tpu.memory_space<vmem>>, vector<1x16xf32>,
          %get3A_285 = vector.shape_cast %get3A_284 : vector<1x16xf32> to vector<16xf32>
          %add3A_286 = arith.constant 3 : i32
          %add3A_287 = arith.addi %mul3A_112, %add3A_286 : i32
          %swap3A_288 = arith.index_cast %add3A_287 : i32 to index
          %swap3A_289 = arith.constant 16 : index
          %swap3A_290 = tpu.vector_load %arg8[%swap3A_288, %swap3A_289] {strides = array<i32>} : memref<128x64xf32, #tpu.memory_space<vmem>>, vector<1x16xf32>,
          %swap3A_291 = vector.shape_cast %swap3A_290 : vector<1x16xf32> to vector<16xf32>
          %swap3A_292 = vector.shape_cast %get3A_285 : vector<16xf32> to vector<1x16xf32>
          tpu.vector_store %arg8[%swap3A_288, %swap3A_289], %swap3A_292 {strides = array<i32>} : memref<128x64xf32, #tpu.memory_space<vmem>>, vector<1x16xf32>,
          %add3A_293 = arith.constant 3 : i32
          %add3A_294 = arith.addi %mul3A_112, %add3A_293 : i32
          %get3A_295 = arith.index_cast %add3A_294 : i32 to index
          %get3A_296 = arith.constant 32 : index
          %get3A_297 = tpu.vector_load %arg6[%get3A_295, %get3A_296] {strides = array<i32>} : memref<128x128xf32, #tpu.memory_space<vmem>>, vector<1x16xf32>,
          %get3A_298 = vector.shape_cast %get3A_297 : vector<1x16xf32> to vector<16xf32>
          %add3A_299 = arith.constant 3 : i32
          %add3A_300 = arith.addi %mul3A_112, %add3A_299 : i32
          %swap3A_301 = arith.index_cast %add3A_300 : i32 to index
          %swap3A_302 = arith.constant 32 : index
          %swap3A_303 = tpu.vector_load %arg8[%swap3A_301, %swap3A_302] {strides = array<i32>} : memref<128x64xf32, #tpu.memory_space<vmem>>, vector<1x16xf32>,
          %swap3A_304 = vector.shape_cast %swap3A_303 : vector<1x16xf32> to vector<16xf32>
          %swap3A_305 = vector.shape_cast %get3A_298 : vector<16xf32> to vector<1x16xf32>
          tpu.vector_store %arg8[%swap3A_301, %swap3A_302], %swap3A_305 {strides = array<i32>} : memref<128x64xf32, #tpu.memory_space<vmem>>, vector<1x16xf32>,
          %add3A_306 = arith.constant 3 : i32
          %add3A_307 = arith.addi %mul3A_112, %add3A_306 : i32
          %get3A_308 = arith.index_cast %add3A_307 : i32 to index
          %get3A_309 = arith.constant 48 : index
          %get3A_310 = tpu.vector_load %arg6[%get3A_308, %get3A_309] {strides = array<i32>} : memref<128x128xf32, #tpu.memory_space<vmem>>, vector<1x16xf32>,
          %get3A_311 = vector.shape_cast %get3A_310 : vector<1x16xf32> to vector<16xf32>
          %add3A_312 = arith.constant 3 : i32
          %add3A_313 = arith.addi %mul3A_112, %add3A_312 : i32
          %swap3A_314 = arith.index_cast %add3A_313 : i32 to index
          %swap3A_315 = arith.constant 48 : index
          %swap3A_316 = tpu.vector_load %arg8[%swap3A_314, %swap3A_315] {strides = array<i32>} : memref<128x64xf32, #tpu.memory_space<vmem>>, vector<1x16xf32>,
          %swap3A_317 = vector.shape_cast %swap3A_316 : vector<1x16xf32> to vector<16xf32>
          %swap3A_318 = vector.shape_cast %get3A_311 : vector<16xf32> to vector<1x16xf32>
          tpu.vector_store %arg8[%swap3A_314, %swap3A_315], %swap3A_318 {strides = array<i32>} : memref<128x64xf32, #tpu.memory_space<vmem>>, vector<1x16xf32>,
          %add3A_319 = arith.constant 4 : i32
          %add3A_320 = arith.addi %mul3A_112, %add3A_319 : i32
          %get3A_321 = arith.index_cast %add3A_320 : i32 to index
          %get3A_322 = arith.constant 0 : index
          %get3A_323 = tpu.vector_load %arg6[%get3A_321, %get3A_322] {strides = array<i32>} : memref<128x128xf32, #tpu.memory_space<vmem>>, vector<1x16xf32>,
          %get3A_324 = vector.shape_cast %get3A_323 : vector<1x16xf32> to vector<16xf32>
          %add3A_325 = arith.constant 4 : i32
          %add3A_326 = arith.addi %mul3A_112, %add3A_325 : i32
          %swap3A_327 = arith.index_cast %add3A_326 : i32 to index
          %swap3A_328 = arith.constant 0 : index
          %swap3A_329 = tpu.vector_load %arg8[%swap3A_327, %swap3A_328] {strides = array<i32>} : memref<128x64xf32, #tpu.memory_space<vmem>>, vector<1x16xf32>,
          %swap3A_330 = vector.shape_cast %swap3A_329 : vector<1x16xf32> to vector<16xf32>
          %swap3A_331 = vector.shape_cast %get3A_324 : vector<16xf32> to vector<1x16xf32>
          tpu.vector_store %arg8[%swap3A_327, %swap3A_328], %swap3A_331 {strides = array<i32>} : memref<128x64xf32, #tpu.memory_space<vmem>>, vector<1x16xf32>,
          %add3A_332 = arith.constant 4 : i32
          %add3A_333 = arith.addi %mul3A_112, %add3A_332 : i32
          %get3A_334 = arith.index_cast %add3A_333 : i32 to index
          %get3A_335 = arith.constant 16 : index
          %get3A_336 = tpu.vector_load %arg6[%get3A_334, %get3A_335] {strides = array<i32>} : memref<128x128xf32, #tpu.memory_space<vmem>>, vector<1x16xf32>,
          %get3A_337 = vector.shape_cast %get3A_336 : vector<1x16xf32> to vector<16xf32>
          %add3A_338 = arith.constant 4 : i32
          %add3A_339 = arith.addi %mul3A_112, %add3A_338 : i32
          %swap3A_340 = arith.index_cast %add3A_339 : i32 to index
          %swap3A_341 = arith.constant 16 : index
          %swap3A_342 = tpu.vector_load %arg8[%swap3A_340, %swap3A_341] {strides = array<i32>} : memref<128x64xf32, #tpu.memory_space<vmem>>, vector<1x16xf32>,
          %swap3A_343 = vector.shape_cast %swap3A_342 : vector<1x16xf32> to vector<16xf32>
          %swap3A_344 = vector.shape_cast %get3A_337 : vector<16xf32> to vector<1x16xf32>
          tpu.vector_store %arg8[%swap3A_340, %swap3A_341], %swap3A_344 {strides = array<i32>} : memref<128x64xf32, #tpu.memory_space<vmem>>, vector<1x16xf32>,
          %add3A_345 = arith.constant 4 : i32
          %add3A_346 = arith.addi %mul3A_112, %add3A_345 : i32
          %get3A_347 = arith.index_cast %add3A_346 : i32 to index
          %get3A_348 = arith.constant 32 : index
          %get3A_349 = tpu.vector_load %arg6[%get3A_347, %get3A_348] {strides = array<i32>} : memref<128x128xf32, #tpu.memory_space<vmem>>, vector<1x16xf32>,
          %get3A_350 = vector.shape_cast %get3A_349 : vector<1x16xf32> to vector<16xf32>
          %add3A_351 = arith.constant 4 : i32
          %add3A_352 = arith.addi %mul3A_112, %add3A_351 : i32
          %swap3A_353 = arith.index_cast %add3A_352 : i32 to index
          %swap3A_354 = arith.constant 32 : index
          %swap3A_355 = tpu.vector_load %arg8[%swap3A_353, %swap3A_354] {strides = array<i32>} : memref<128x64xf32, #tpu.memory_space<vmem>>, vector<1x16xf32>,
          %swap3A_356 = vector.shape_cast %swap3A_355 : vector<1x16xf32> to vector<16xf32>
          %swap3A_357 = vector.shape_cast %get3A_350 : vector<16xf32> to vector<1x16xf32>
          tpu.vector_store %arg8[%swap3A_353, %swap3A_354], %swap3A_357 {strides = array<i32>} : memref<128x64xf32, #tpu.memory_space<vmem>>, vector<1x16xf32>,
          %add3A_358 = arith.constant 4 : i32
          %add3A_359 = arith.addi %mul3A_112, %add3A_358 : i32
          %get3A_360 = arith.index_cast %add3A_359 : i32 to index
          %get3A_361 = arith.constant 48 : index
          %get3A_362 = tpu.vector_load %arg6[%get3A_360, %get3A_361] {strides = array<i32>} : memref<128x128xf32, #tpu.memory_space<vmem>>, vector<1x16xf32>,
          %get3A_363 = vector.shape_cast %get3A_362 : vector<1x16xf32> to vector<16xf32>
          %add3A_364 = arith.constant 4 : i32
          %add3A_365 = arith.addi %mul3A_112, %add3A_364 : i32
          %swap3A_366 = arith.index_cast %add3A_365 : i32 to index
          %swap3A_367 = arith.constant 48 : index
          %swap3A_368 = tpu.vector_load %arg8[%swap3A_366, %swap3A_367] {strides = array<i32>} : memref<128x64xf32, #tpu.memory_space<vmem>>, vector<1x16xf32>,
          %swap3A_369 = vector.shape_cast %swap3A_368 : vector<1x16xf32> to vector<16xf32>
          %swap3A_370 = vector.shape_cast %get3A_363 : vector<16xf32> to vector<1x16xf32>
          tpu.vector_store %arg8[%swap3A_366, %swap3A_367], %swap3A_370 {strides = array<i32>} : memref<128x64xf32, #tpu.memory_space<vmem>>, vector<1x16xf32>,
          %add3A_371 = arith.constant 5 : i32
          %add3A_372 = arith.addi %mul3A_112, %add3A_371 : i32
          %get3A_373 = arith.index_cast %add3A_372 : i32 to index
          %get3A_374 = arith.constant 0 : index
          %get3A_375 = tpu.vector_load %arg6[%get3A_373, %get3A_374] {strides = array<i32>} : memref<128x128xf32, #tpu.memory_space<vmem>>, vector<1x16xf32>,
          %get3A_376 = vector.shape_cast %get3A_375 : vector<1x16xf32> to vector<16xf32>
          %add3A_377 = arith.constant 5 : i32
          %add3A_378 = arith.addi %mul3A_112, %add3A_377 : i32
          %swap3A_379 = arith.index_cast %add3A_378 : i32 to index
          %swap3A_380 = arith.constant 0 : index
          %swap3A_381 = tpu.vector_load %arg8[%swap3A_379, %swap3A_380] {strides = array<i32>} : memref<128x64xf32, #tpu.memory_space<vmem>>, vector<1x16xf32>,
          %swap3A_382 = vector.shape_cast %swap3A_381 : vector<1x16xf32> to vector<16xf32>
          %swap3A_383 = vector.shape_cast %get3A_376 : vector<16xf32> to vector<1x16xf32>
          tpu.vector_store %arg8[%swap3A_379, %swap3A_380], %swap3A_383 {strides = array<i32>} : memref<128x64xf32, #tpu.memory_space<vmem>>, vector<1x16xf32>,
          %add3A_384 = arith.constant 5 : i32
          %add3A_385 = arith.addi %mul3A_112, %add3A_384 : i32
          %get3A_386 = arith.index_cast %add3A_385 : i32 to index
          %get3A_387 = arith.constant 16 : index
          %get3A_388 = tpu.vector_load %arg6[%get3A_386, %get3A_387] {strides = array<i32>} : memref<128x128xf32, #tpu.memory_space<vmem>>, vector<1x16xf32>,
          %get3A_389 = vector.shape_cast %get3A_388 : vector<1x16xf32> to vector<16xf32>
          %add3A_390 = arith.constant 5 : i32
          %add3A_391 = arith.addi %mul3A_112, %add3A_390 : i32
          %swap3A_392 = arith.index_cast %add3A_391 : i32 to index
          %swap3A_393 = arith.constant 16 : index
          %swap3A_394 = tpu.vector_load %arg8[%swap3A_392, %swap3A_393] {strides = array<i32>} : memref<128x64xf32, #tpu.memory_space<vmem>>, vector<1x16xf32>,
          %swap3A_395 = vector.shape_cast %swap3A_394 : vector<1x16xf32> to vector<16xf32>
          %swap3A_396 = vector.shape_cast %get3A_389 : vector<16xf32> to vector<1x16xf32>
          tpu.vector_store %arg8[%swap3A_392, %swap3A_393], %swap3A_396 {strides = array<i32>} : memref<128x64xf32, #tpu.memory_space<vmem>>, vector<1x16xf32>,
          %add3A_397 = arith.constant 5 : i32
          %add3A_398 = arith.addi %mul3A_112, %add3A_397 : i32
          %get3A_399 = arith.index_cast %add3A_398 : i32 to index
          %get3A_400 = arith.constant 32 : index
          %get3A_401 = tpu.vector_load %arg6[%get3A_399, %get3A_400] {strides = array<i32>} : memref<128x128xf32, #tpu.memory_space<vmem>>, vector<1x16xf32>,
          %get3A_402 = vector.shape_cast %get3A_401 : vector<1x16xf32> to vector<16xf32>
          %add3A_403 = arith.constant 5 : i32
          %add3A_404 = arith.addi %mul3A_112, %add3A_403 : i32
          %swap3A_405 = arith.index_cast %add3A_404 : i32 to index
          %swap3A_406 = arith.constant 32 : index
          %swap3A_407 = tpu.vector_load %arg8[%swap3A_405, %swap3A_406] {strides = array<i32>} : memref<128x64xf32, #tpu.memory_space<vmem>>, vector<1x16xf32>,
          %swap3A_408 = vector.shape_cast %swap3A_407 : vector<1x16xf32> to vector<16xf32>
          %swap3A_409 = vector.shape_cast %get3A_402 : vector<16xf32> to vector<1x16xf32>
          tpu.vector_store %arg8[%swap3A_405, %swap3A_406], %swap3A_409 {strides = array<i32>} : memref<128x64xf32, #tpu.memory_space<vmem>>, vector<1x16xf32>,
          %add3A_410 = arith.constant 5 : i32
          %add3A_411 = arith.addi %mul3A_112, %add3A_410 : i32
          %get3A_412 = arith.index_cast %add3A_411 : i32 to index
          %get3A_413 = arith.constant 48 : index
          %get3A_414 = tpu.vector_load %arg6[%get3A_412, %get3A_413] {strides = array<i32>} : memref<128x128xf32, #tpu.memory_space<vmem>>, vector<1x16xf32>,
          %get3A_415 = vector.shape_cast %get3A_414 : vector<1x16xf32> to vector<16xf32>
          %add3A_416 = arith.constant 5 : i32
          %add3A_417 = arith.addi %mul3A_112, %add3A_416 : i32
          %swap3A_418 = arith.index_cast %add3A_417 : i32 to index
          %swap3A_419 = arith.constant 48 : index
          %swap3A_420 = tpu.vector_load %arg8[%swap3A_418, %swap3A_419] {strides = array<i32>} : memref<128x64xf32, #tpu.memory_space<vmem>>, vector<1x16xf32>,
          %swap3A_421 = vector.shape_cast %swap3A_420 : vector<1x16xf32> to vector<16xf32>
          %swap3A_422 = vector.shape_cast %get3A_415 : vector<16xf32> to vector<1x16xf32>
          tpu.vector_store %arg8[%swap3A_418, %swap3A_419], %swap3A_422 {strides = array<i32>} : memref<128x64xf32, #tpu.memory_space<vmem>>, vector<1x16xf32>,
          %add3A_423 = arith.constant 6 : i32
          %add3A_424 = arith.addi %mul3A_112, %add3A_423 : i32
          %get3A_425 = arith.index_cast %add3A_424 : i32 to index
          %get3A_426 = arith.constant 0 : index
          %get3A_427 = tpu.vector_load %arg6[%get3A_425, %get3A_426] {strides = array<i32>} : memref<128x128xf32, #tpu.memory_space<vmem>>, vector<1x16xf32>,
          %get3A_428 = vector.shape_cast %get3A_427 : vector<1x16xf32> to vector<16xf32>
          %add3A_429 = arith.constant 6 : i32
          %add3A_430 = arith.addi %mul3A_112, %add3A_429 : i32
          %swap3A_431 = arith.index_cast %add3A_430 : i32 to index
          %swap3A_432 = arith.constant 0 : index
          %swap3A_433 = tpu.vector_load %arg8[%swap3A_431, %swap3A_432] {strides = array<i32>} : memref<128x64xf32, #tpu.memory_space<vmem>>, vector<1x16xf32>,
          %swap3A_434 = vector.shape_cast %swap3A_433 : vector<1x16xf32> to vector<16xf32>
          %swap3A_435 = vector.shape_cast %get3A_428 : vector<16xf32> to vector<1x16xf32>
          tpu.vector_store %arg8[%swap3A_431, %swap3A_432], %swap3A_435 {strides = array<i32>} : memref<128x64xf32, #tpu.memory_space<vmem>>, vector<1x16xf32>,
          %add3A_436 = arith.constant 6 : i32
          %add3A_437 = arith.addi %mul3A_112, %add3A_436 : i32
          %get3A_438 = arith.index_cast %add3A_437 : i32 to index
          %get3A_439 = arith.constant 16 : index
          %get3A_440 = tpu.vector_load %arg6[%get3A_438, %get3A_439] {strides = array<i32>} : memref<128x128xf32, #tpu.memory_space<vmem>>, vector<1x16xf32>,
          %get3A_441 = vector.shape_cast %get3A_440 : vector<1x16xf32> to vector<16xf32>
          %add3A_442 = arith.constant 6 : i32
          %add3A_443 = arith.addi %mul3A_112, %add3A_442 : i32
          %swap3A_444 = arith.index_cast %add3A_443 : i32 to index
          %swap3A_445 = arith.constant 16 : index
          %swap3A_446 = tpu.vector_load %arg8[%swap3A_444, %swap3A_445] {strides = array<i32>} : memref<128x64xf32, #tpu.memory_space<vmem>>, vector<1x16xf32>,
          %swap3A_447 = vector.shape_cast %swap3A_446 : vector<1x16xf32> to vector<16xf32>
          %swap3A_448 = vector.shape_cast %get3A_441 : vector<16xf32> to vector<1x16xf32>
          tpu.vector_store %arg8[%swap3A_444, %swap3A_445], %swap3A_448 {strides = array<i32>} : memref<128x64xf32, #tpu.memory_space<vmem>>, vector<1x16xf32>,
          %add3A_449 = arith.constant 6 : i32
          %add3A_450 = arith.addi %mul3A_112, %add3A_449 : i32
          %get3A_451 = arith.index_cast %add3A_450 : i32 to index
          %get3A_452 = arith.constant 32 : index
          %get3A_453 = tpu.vector_load %arg6[%get3A_451, %get3A_452] {strides = array<i32>} : memref<128x128xf32, #tpu.memory_space<vmem>>, vector<1x16xf32>,
          %get3A_454 = vector.shape_cast %get3A_453 : vector<1x16xf32> to vector<16xf32>
          %add3A_455 = arith.constant 6 : i32
          %add3A_456 = arith.addi %mul3A_112, %add3A_455 : i32
          %swap3A_457 = arith.index_cast %add3A_456 : i32 to index
          %swap3A_458 = arith.constant 32 : index
          %swap3A_459 = tpu.vector_load %arg8[%swap3A_457, %swap3A_458] {strides = array<i32>} : memref<128x64xf32, #tpu.memory_space<vmem>>, vector<1x16xf32>,
          %swap3A_460 = vector.shape_cast %swap3A_459 : vector<1x16xf32> to vector<16xf32>
          %swap3A_461 = vector.shape_cast %get3A_454 : vector<16xf32> to vector<1x16xf32>
          tpu.vector_store %arg8[%swap3A_457, %swap3A_458], %swap3A_461 {strides = array<i32>} : memref<128x64xf32, #tpu.memory_space<vmem>>, vector<1x16xf32>,
          %add3A_462 = arith.constant 6 : i32
          %add3A_463 = arith.addi %mul3A_112, %add3A_462 : i32
          %get3A_464 = arith.index_cast %add3A_463 : i32 to index
          %get3A_465 = arith.constant 48 : index
          %get3A_466 = tpu.vector_load %arg6[%get3A_464, %get3A_465] {strides = array<i32>} : memref<128x128xf32, #tpu.memory_space<vmem>>, vector<1x16xf32>,
          %get3A_467 = vector.shape_cast %get3A_466 : vector<1x16xf32> to vector<16xf32>
          %add3A_468 = arith.constant 6 : i32
          %add3A_469 = arith.addi %mul3A_112, %add3A_468 : i32
          %swap3A_470 = arith.index_cast %add3A_469 : i32 to index
          %swap3A_471 = arith.constant 48 : index
          %swap3A_472 = tpu.vector_load %arg8[%swap3A_470, %swap3A_471] {strides = array<i32>} : memref<128x64xf32, #tpu.memory_space<vmem>>, vector<1x16xf32>,
          %swap3A_473 = vector.shape_cast %swap3A_472 : vector<1x16xf32> to vector<16xf32>
          %swap3A_474 = vector.shape_cast %get3A_467 : vector<16xf32> to vector<1x16xf32>
          tpu.vector_store %arg8[%swap3A_470, %swap3A_471], %swap3A_474 {strides = array<i32>} : memref<128x64xf32, #tpu.memory_space<vmem>>, vector<1x16xf32>,
          %add3A_475 = arith.constant 7 : i32
          %add3A_476 = arith.addi %mul3A_112, %add3A_475 : i32
          %get3A_477 = arith.index_cast %add3A_476 : i32 to index
          %get3A_478 = arith.constant 0 : index
          %get3A_479 = tpu.vector_load %arg6[%get3A_477, %get3A_478] {strides = array<i32>} : memref<128x128xf32, #tpu.memory_space<vmem>>, vector<1x16xf32>,
          %get3A_480 = vector.shape_cast %get3A_479 : vector<1x16xf32> to vector<16xf32>
          %add3A_481 = arith.constant 7 : i32
          %add3A_482 = arith.addi %mul3A_112, %add3A_481 : i32
          %swap3A_483 = arith.index_cast %add3A_482 : i32 to index
          %swap3A_484 = arith.constant 0 : index
          %swap3A_485 = tpu.vector_load %arg8[%swap3A_483, %swap3A_484] {strides = array<i32>} : memref<128x64xf32, #tpu.memory_space<vmem>>, vector<1x16xf32>,
          %swap3A_486 = vector.shape_cast %swap3A_485 : vector<1x16xf32> to vector<16xf32>
          %swap3A_487 = vector.shape_cast %get3A_480 : vector<16xf32> to vector<1x16xf32>
          tpu.vector_store %arg8[%swap3A_483, %swap3A_484], %swap3A_487 {strides = array<i32>} : memref<128x64xf32, #tpu.memory_space<vmem>>, vector<1x16xf32>,
          %add3A_488 = arith.constant 7 : i32
          %add3A_489 = arith.addi %mul3A_112, %add3A_488 : i32
          %get3A_490 = arith.index_cast %add3A_489 : i32 to index
          %get3A_491 = arith.constant 16 : index
          %get3A_492 = tpu.vector_load %arg6[%get3A_490, %get3A_491] {strides = array<i32>} : memref<128x128xf32, #tpu.memory_space<vmem>>, vector<1x16xf32>,
          %get3A_493 = vector.shape_cast %get3A_492 : vector<1x16xf32> to vector<16xf32>
          %add3A_494 = arith.constant 7 : i32
          %add3A_495 = arith.addi %mul3A_112, %add3A_494 : i32
          %swap3A_496 = arith.index_cast %add3A_495 : i32 to index
          %swap3A_497 = arith.constant 16 : index
          %swap3A_498 = tpu.vector_load %arg8[%swap3A_496, %swap3A_497] {strides = array<i32>} : memref<128x64xf32, #tpu.memory_space<vmem>>, vector<1x16xf32>,
          %swap3A_499 = vector.shape_cast %swap3A_498 : vector<1x16xf32> to vector<16xf32>
          %swap3A_500 = vector.shape_cast %get3A_493 : vector<16xf32> to vector<1x16xf32>
          tpu.vector_store %arg8[%swap3A_496, %swap3A_497], %swap3A_500 {strides = array<i32>} : memref<128x64xf32, #tpu.memory_space<vmem>>, vector<1x16xf32>,
          %add3A_501 = arith.constant 7 : i32
          %add3A_502 = arith.addi %mul3A_112, %add3A_501 : i32
          %get3A_503 = arith.index_cast %add3A_502 : i32 to index
          %get3A_504 = arith.constant 32 : index
          %get3A_505 = tpu.vector_load %arg6[%get3A_503, %get3A_504] {strides = array<i32>} : memref<128x128xf32, #tpu.memory_space<vmem>>, vector<1x16xf32>,
          %get3A_506 = vector.shape_cast %get3A_505 : vector<1x16xf32> to vector<16xf32>
          %add3A_507 = arith.constant 7 : i32
          %add3A_508 = arith.addi %mul3A_112, %add3A_507 : i32
          %swap3A_509 = arith.index_cast %add3A_508 : i32 to index
          %swap3A_510 = arith.constant 32 : index
          %swap3A_511 = tpu.vector_load %arg8[%swap3A_509, %swap3A_510] {strides = array<i32>} : memref<128x64xf32, #tpu.memory_space<vmem>>, vector<1x16xf32>,
          %swap3A_512 = vector.shape_cast %swap3A_511 : vector<1x16xf32> to vector<16xf32>
          %swap3A_513 = vector.shape_cast %get3A_506 : vector<16xf32> to vector<1x16xf32>
          tpu.vector_store %arg8[%swap3A_509, %swap3A_510], %swap3A_513 {strides = array<i32>} : memref<128x64xf32, #tpu.memory_space<vmem>>, vector<1x16xf32>,
          %add3A_514 = arith.constant 7 : i32
          %add3A_515 = arith.addi %mul3A_112, %add3A_514 : i32
          %get3A_516 = arith.index_cast %add3A_515 : i32 to index
          %get3A_517 = arith.constant 48 : index
          %get3A_518 = tpu.vector_load %arg6[%get3A_516, %get3A_517] {strides = array<i32>} : memref<128x128xf32, #tpu.memory_space<vmem>>, vector<1x16xf32>,
          %get3A_519 = vector.shape_cast %get3A_518 : vector<1x16xf32> to vector<16xf32>
          %add3A_520 = arith.constant 7 : i32
          %add3A_521 = arith.addi %mul3A_112, %add3A_520 : i32
          %swap3A_522 = arith.index_cast %add3A_521 : i32 to index
          %swap3A_523 = arith.constant 48 : index
          %swap3A_524 = tpu.vector_load %arg8[%swap3A_522, %swap3A_523] {strides = array<i32>} : memref<128x64xf32, #tpu.memory_space<vmem>>, vector<1x16xf32>,
          %swap3A_525 = vector.shape_cast %swap3A_524 : vector<1x16xf32> to vector<16xf32>
          %swap3A_526 = vector.shape_cast %get3A_519 : vector<16xf32> to vector<1x16xf32>
          tpu.vector_store %arg8[%swap3A_522, %swap3A_523], %swap3A_526 {strides = array<i32>} : memref<128x64xf32, #tpu.memory_space<vmem>>, vector<1x16xf32>,
        }
        %scan3A_80 = arith.constant 16 : i32
        %mul3A_81 = arith.constant 128 : i32
        %mul3A_82 = arith.muli %add3A_66, %mul3A_81 : i32
        %dma_start3A_83 = arith.constant 0 : i32
        %dma_start3A_84 = tpu.memref_slice %arg4[%mul3A_82, %dma_start3A_83] : memref<3276800x64xf32, #tpu.memory_space<hbm>> -> memref<128x64xf32, #tpu.memory_space<hbm>>
        %dma_start3A_85 = arith.constant 0 : i32
        %dma_start3A_86 = tpu.memref_slice %arg4[%mul3A_82, %dma_start3A_85] : memref<3276800x64xf32, #tpu.memory_space<hbm>> -> memref<128x64xf32, #tpu.memory_space<hbm>>
        tpu.enqueue_dma source(%arg8 : memref<128x64xf32, #tpu.memory_space<vmem>>) target(%dma_start3A_86 : memref<128x64xf32, #tpu.memory_space<hbm>>) target_semaphore(%arg13 : memref<!tpu.dma_semaphore, #tpu.memory_space<semaphore_mem>>)
        %add3A_87 = arith.addi %add3A_13, %mul3A_44 : i32
        %add3A_88 = arith.constant 1 : i32
        %add3A_89 = arith.addi %add3A_87, %add3A_88 : i32
        %add3A_90 = arith.constant 1 : i32
        %add3A_91 = arith.addi %mul3A_44, %add3A_90 : i32
        %dma_wait3A_92 = arith.constant 0 : i32
        %dma_wait3A_93 = tpu.memref_slice %arg5[%add3A_91, %dma_wait3A_92] : memref<80x128xi32, #tpu.memory_space<vmem>> -> memref<1x128xi32, #tpu.memory_space<vmem>>
        %dma_wait3A_94 = tpu.memref_squeeze %dma_wait3A_93 : memref<1x128xi32, #tpu.memory_space<vmem>> -> memref<128xi32, #tpu.memory_space<vmem>>
        %dma_wait3A_95 = arith.constant 0 : i32
        %dma_wait3A_96 = arith.constant 0 : i32
        %dma_wait3A_97 = tpu.memref_slice %arg10[%dma_wait3A_95, %dma_wait3A_96] : memref<2048x128xf32, #tpu.memory_space<vmem_shared>> -> memref<2048x128xf32, #tpu.memory_space<vmem_shared>>
        tpu.wait_indirect_dma semaphore(%arg12 : memref<!tpu.dma_semaphore, #tpu.memory_space<semaphore_mem>>) src(%dma_wait3A_97 : memref<2048x128xf32, #tpu.memory_space<vmem_shared>>) dst(%arg7 : memref<128x128xf32, #tpu.memory_space<vmem>>)
        %scan3A_98 = arith.constant 0 : i32
        %scan3A_99 = arith.constant 0 : i32
        %scan3A_100 = arith.constant 16 : i32
        %scan3A_101 = arith.addi %scan3A_99, %scan3A_100 : i32
        %scan3A_102 = arith.constant 1 : i32
        scf.for %scan3A_110 = %scan3A_99 to %scan3A_101 step %scan3A_102  : i32 {
          %mul3A_111 = arith.constant 8 : i32
          %mul3A_112 = arith.muli %scan3A_110, %mul3A_111 : i32
          %add3A_113 = arith.constant 0 : i32
          %add3A_114 = arith.addi %mul3A_112, %add3A_113 : i32
          %get3A = arith.index_cast %add3A_114 : i32 to index
          %get3A_115 = arith.constant 0 : index
          %get3A_116 = tpu.vector_load %arg7[%get3A, %get3A_115] {strides = array<i32>} : memref<128x128xf32, #tpu.memory_space<vmem>>, vector<1x16xf32>,
          %get3A_117 = vector.shape_cast %get3A_116 : vector<1x16xf32> to vector<16xf32>
          %add3A_118 = arith.constant 0 : i32
          %add3A_119 = arith.addi %mul3A_112, %add3A_118 : i32
          %swap3A = arith.index_cast %add3A_119 : i32 to index
          %swap3A_120 = arith.constant 0 : index
          %swap3A_121 = tpu.vector_load %arg9[%swap3A, %swap3A_120] {strides = array<i32>} : memref<128x64xf32, #tpu.memory_space<vmem>>, vector<1x16xf32>,
          %swap3A_122 = vector.shape_cast %swap3A_121 : vector<1x16xf32> to vector<16xf32>
          %swap3A_123 = vector.shape_cast %get3A_117 : vector<16xf32> to vector<1x16xf32>
          tpu.vector_store %arg9[%swap3A, %swap3A_120], %swap3A_123 {strides = array<i32>} : memref<128x64xf32, #tpu.memory_space<vmem>>, vector<1x16xf32>,
          %add3A_124 = arith.constant 0 : i32
          %add3A_125 = arith.addi %mul3A_112, %add3A_124 : i32
          %get3A_126 = arith.index_cast %add3A_125 : i32 to index
          %get3A_127 = arith.constant 16 : index
          %get3A_128 = tpu.vector_load %arg7[%get3A_126, %get3A_127] {strides = array<i32>} : memref<128x128xf32, #tpu.memory_space<vmem>>, vector<1x16xf32>,
          %get3A_129 = vector.shape_cast %get3A_128 : vector<1x16xf32> to vector<16xf32>
          %add3A_130 = arith.constant 0 : i32
          %add3A_131 = arith.addi %mul3A_112, %add3A_130 : i32
          %swap3A_132 = arith.index_cast %add3A_131 : i32 to index
          %swap3A_133 = arith.constant 16 : index
          %swap3A_134 = tpu.vector_load %arg9[%swap3A_132, %swap3A_133] {strides = array<i32>} : memref<128x64xf32, #tpu.memory_space<vmem>>, vector<1x16xf32>,
          %swap3A_135 = vector.shape_cast %swap3A_134 : vector<1x16xf32> to vector<16xf32>
          %swap3A_136 = vector.shape_cast %get3A_129 : vector<16xf32> to vector<1x16xf32>
          tpu.vector_store %arg9[%swap3A_132, %swap3A_133], %swap3A_136 {strides = array<i32>} : memref<128x64xf32, #tpu.memory_space<vmem>>, vector<1x16xf32>,
          %add3A_137 = arith.constant 0 : i32
          %add3A_138 = arith.addi %mul3A_112, %add3A_137 : i32
          %get3A_139 = arith.index_cast %add3A_138 : i32 to index
          %get3A_140 = arith.constant 32 : index
          %get3A_141 = tpu.vector_load %arg7[%get3A_139, %get3A_140] {strides = array<i32>} : memref<128x128xf32, #tpu.memory_space<vmem>>, vector<1x16xf32>,
          %get3A_142 = vector.shape_cast %get3A_141 : vector<1x16xf32> to vector<16xf32>
          %add3A_143 = arith.constant 0 : i32
          %add3A_144 = arith.addi %mul3A_112, %add3A_143 : i32
          %swap3A_145 = arith.index_cast %add3A_144 : i32 to index
          %swap3A_146 = arith.constant 32 : index
          %swap3A_147 = tpu.vector_load %arg9[%swap3A_145, %swap3A_146] {strides = array<i32>} : memref<128x64xf32, #tpu.memory_space<vmem>>, vector<1x16xf32>,
          %swap3A_148 = vector.shape_cast %swap3A_147 : vector<1x16xf32> to vector<16xf32>
          %swap3A_149 = vector.shape_cast %get3A_142 : vector<16xf32> to vector<1x16xf32>
          tpu.vector_store %arg9[%swap3A_145, %swap3A_146], %swap3A_149 {strides = array<i32>} : memref<128x64xf32, #tpu.memory_space<vmem>>, vector<1x16xf32>,
          %add3A_150 = arith.constant 0 : i32
          %add3A_151 = arith.addi %mul3A_112, %add3A_150 : i32
          %get3A_152 = arith.index_cast %add3A_151 : i32 to index
          %get3A_153 = arith.constant 48 : index
          %get3A_154 = tpu.vector_load %arg7[%get3A_152, %get3A_153] {strides = array<i32>} : memref<128x128xf32, #tpu.memory_space<vmem>>, vector<1x16xf32>,
          %get3A_155 = vector.shape_cast %get3A_154 : vector<1x16xf32> to vector<16xf32>
          %add3A_156 = arith.constant 0 : i32
          %add3A_157 = arith.addi %mul3A_112, %add3A_156 : i32
          %swap3A_158 = arith.index_cast %add3A_157 : i32 to index
          %swap3A_159 = arith.constant 48 : index
          %swap3A_160 = tpu.vector_load %arg9[%swap3A_158, %swap3A_159] {strides = array<i32>} : memref<128x64xf32, #tpu.memory_space<vmem>>, vector<1x16xf32>,
          %swap3A_161 = vector.shape_cast %swap3A_160 : vector<1x16xf32> to vector<16xf32>
          %swap3A_162 = vector.shape_cast %get3A_155 : vector<16xf32> to vector<1x16xf32>
          tpu.vector_store %arg9[%swap3A_158, %swap3A_159], %swap3A_162 {strides = array<i32>} : memref<128x64xf32, #tpu.memory_space<vmem>>, vector<1x16xf32>,
          %add3A_163 = arith.constant 1 : i32
          %add3A_164 = arith.addi %mul3A_112, %add3A_163 : i32
          %get3A_165 = arith.index_cast %add3A_164 : i32 to index
          %get3A_166 = arith.constant 0 : index
          %get3A_167 = tpu.vector_load %arg7[%get3A_165, %get3A_166] {strides = array<i32>} : memref<128x128xf32, #tpu.memory_space<vmem>>, vector<1x16xf32>,
          %get3A_168 = vector.shape_cast %get3A_167 : vector<1x16xf32> to vector<16xf32>
          %add3A_169 = arith.constant 1 : i32
          %add3A_170 = arith.addi %mul3A_112, %add3A_169 : i32
          %swap3A_171 = arith.index_cast %add3A_170 : i32 to index
          %swap3A_172 = arith.constant 0 : index
          %swap3A_173 = tpu.vector_load %arg9[%swap3A_171, %swap3A_172] {strides = array<i32>} : memref<128x64xf32, #tpu.memory_space<vmem>>, vector<1x16xf32>,
          %swap3A_174 = vector.shape_cast %swap3A_173 : vector<1x16xf32> to vector<16xf32>
          %swap3A_175 = vector.shape_cast %get3A_168 : vector<16xf32> to vector<1x16xf32>
          tpu.vector_store %arg9[%swap3A_171, %swap3A_172], %swap3A_175 {strides = array<i32>} : memref<128x64xf32, #tpu.memory_space<vmem>>, vector<1x16xf32>,
          %add3A_176 = arith.constant 1 : i32
          %add3A_177 = arith.addi %mul3A_112, %add3A_176 : i32
          %get3A_178 = arith.index_cast %add3A_177 : i32 to index
          %get3A_179 = arith.constant 16 : index
          %get3A_180 = tpu.vector_load %arg7[%get3A_178, %get3A_179] {strides = array<i32>} : memref<128x128xf32, #tpu.memory_space<vmem>>, vector<1x16xf32>,
          %get3A_181 = vector.shape_cast %get3A_180 : vector<1x16xf32> to vector<16xf32>
          %add3A_182 = arith.constant 1 : i32
          %add3A_183 = arith.addi %mul3A_112, %add3A_182 : i32
          %swap3A_184 = arith.index_cast %add3A_183 : i32 to index
          %swap3A_185 = arith.constant 16 : index
          %swap3A_186 = tpu.vector_load %arg9[%swap3A_184, %swap3A_185] {strides = array<i32>} : memref<128x64xf32, #tpu.memory_space<vmem>>, vector<1x16xf32>,
          %swap3A_187 = vector.shape_cast %swap3A_186 : vector<1x16xf32> to vector<16xf32>
          %swap3A_188 = vector.shape_cast %get3A_181 : vector<16xf32> to vector<1x16xf32>
          tpu.vector_store %arg9[%swap3A_184, %swap3A_185], %swap3A_188 {strides = array<i32>} : memref<128x64xf32, #tpu.memory_space<vmem>>, vector<1x16xf32>,
          %add3A_189 = arith.constant 1 : i32
          %add3A_190 = arith.addi %mul3A_112, %add3A_189 : i32
          %get3A_191 = arith.index_cast %add3A_190 : i32 to index
          %get3A_192 = arith.constant 32 : index
          %get3A_193 = tpu.vector_load %arg7[%get3A_191, %get3A_192] {strides = array<i32>} : memref<128x128xf32, #tpu.memory_space<vmem>>, vector<1x16xf32>,
          %get3A_194 = vector.shape_cast %get3A_193 : vector<1x16xf32> to vector<16xf32>
          %add3A_195 = arith.constant 1 : i32
          %add3A_196 = arith.addi %mul3A_112, %add3A_195 : i32
          %swap3A_197 = arith.index_cast %add3A_196 : i32 to index
          %swap3A_198 = arith.constant 32 : index
          %swap3A_199 = tpu.vector_load %arg9[%swap3A_197, %swap3A_198] {strides = array<i32>} : memref<128x64xf32, #tpu.memory_space<vmem>>, vector<1x16xf32>,
          %swap3A_200 = vector.shape_cast %swap3A_199 : vector<1x16xf32> to vector<16xf32>
          %swap3A_201 = vector.shape_cast %get3A_194 : vector<16xf32> to vector<1x16xf32>
          tpu.vector_store %arg9[%swap3A_197, %swap3A_198], %swap3A_201 {strides = array<i32>} : memref<128x64xf32, #tpu.memory_space<vmem>>, vector<1x16xf32>,
          %add3A_202 = arith.constant 1 : i32
          %add3A_203 = arith.addi %mul3A_112, %add3A_202 : i32
          %get3A_204 = arith.index_cast %add3A_203 : i32 to index
          %get3A_205 = arith.constant 48 : index
          %get3A_206 = tpu.vector_load %arg7[%get3A_204, %get3A_205] {strides = array<i32>} : memref<128x128xf32, #tpu.memory_space<vmem>>, vector<1x16xf32>,
          %get3A_207 = vector.shape_cast %get3A_206 : vector<1x16xf32> to vector<16xf32>
          %add3A_208 = arith.constant 1 : i32
          %add3A_209 = arith.addi %mul3A_112, %add3A_208 : i32
          %swap3A_210 = arith.index_cast %add3A_209 : i32 to index
          %swap3A_211 = arith.constant 48 : index
          %swap3A_212 = tpu.vector_load %arg9[%swap3A_210, %swap3A_211] {strides = array<i32>} : memref<128x64xf32, #tpu.memory_space<vmem>>, vector<1x16xf32>,
          %swap3A_213 = vector.shape_cast %swap3A_212 : vector<1x16xf32> to vector<16xf32>
          %swap3A_214 = vector.shape_cast %get3A_207 : vector<16xf32> to vector<1x16xf32>
          tpu.vector_store %arg9[%swap3A_210, %swap3A_211], %swap3A_214 {strides = array<i32>} : memref<128x64xf32, #tpu.memory_space<vmem>>, vector<1x16xf32>,
          %add3A_215 = arith.constant 2 : i32
          %add3A_216 = arith.addi %mul3A_112, %add3A_215 : i32
          %get3A_217 = arith.index_cast %add3A_216 : i32 to index
          %get3A_218 = arith.constant 0 : index
          %get3A_219 = tpu.vector_load %arg7[%get3A_217, %get3A_218] {strides = array<i32>} : memref<128x128xf32, #tpu.memory_space<vmem>>, vector<1x16xf32>,
          %get3A_220 = vector.shape_cast %get3A_219 : vector<1x16xf32> to vector<16xf32>
          %add3A_221 = arith.constant 2 : i32
          %add3A_222 = arith.addi %mul3A_112, %add3A_221 : i32
          %swap3A_223 = arith.index_cast %add3A_222 : i32 to index
          %swap3A_224 = arith.constant 0 : index
          %swap3A_225 = tpu.vector_load %arg9[%swap3A_223, %swap3A_224] {strides = array<i32>} : memref<128x64xf32, #tpu.memory_space<vmem>>, vector<1x16xf32>,
          %swap3A_226 = vector.shape_cast %swap3A_225 : vector<1x16xf32> to vector<16xf32>
          %swap3A_227 = vector.shape_cast %get3A_220 : vector<16xf32> to vector<1x16xf32>
          tpu.vector_store %arg9[%swap3A_223, %swap3A_224], %swap3A_227 {strides = array<i32>} : memref<128x64xf32, #tpu.memory_space<vmem>>, vector<1x16xf32>,
          %add3A_228 = arith.constant 2 : i32
          %add3A_229 = arith.addi %mul3A_112, %add3A_228 : i32
          %get3A_230 = arith.index_cast %add3A_229 : i32 to index
          %get3A_231 = arith.constant 16 : index
          %get3A_232 = tpu.vector_load %arg7[%get3A_230, %get3A_231] {strides = array<i32>} : memref<128x128xf32, #tpu.memory_space<vmem>>, vector<1x16xf32>,
          %get3A_233 = vector.shape_cast %get3A_232 : vector<1x16xf32> to vector<16xf32>
          %add3A_234 = arith.constant 2 : i32
          %add3A_235 = arith.addi %mul3A_112, %add3A_234 : i32
          %swap3A_236 = arith.index_cast %add3A_235 : i32 to index
          %swap3A_237 = arith.constant 16 : index
          %swap3A_238 = tpu.vector_load %arg9[%swap3A_236, %swap3A_237] {strides = array<i32>} : memref<128x64xf32, #tpu.memory_space<vmem>>, vector<1x16xf32>,
          %swap3A_239 = vector.shape_cast %swap3A_238 : vector<1x16xf32> to vector<16xf32>
          %swap3A_240 = vector.shape_cast %get3A_233 : vector<16xf32> to vector<1x16xf32>
          tpu.vector_store %arg9[%swap3A_236, %swap3A_237], %swap3A_240 {strides = array<i32>} : memref<128x64xf32, #tpu.memory_space<vmem>>, vector<1x16xf32>,
          %add3A_241 = arith.constant 2 : i32
          %add3A_242 = arith.addi %mul3A_112, %add3A_241 : i32
          %get3A_243 = arith.index_cast %add3A_242 : i32 to index
          %get3A_244 = arith.constant 32 : index
          %get3A_245 = tpu.vector_load %arg7[%get3A_243, %get3A_244] {strides = array<i32>} : memref<128x128xf32, #tpu.memory_space<vmem>>, vector<1x16xf32>,
          %get3A_246 = vector.shape_cast %get3A_245 : vector<1x16xf32> to vector<16xf32>
          %add3A_247 = arith.constant 2 : i32
          %add3A_248 = arith.addi %mul3A_112, %add3A_247 : i32
          %swap3A_249 = arith.index_cast %add3A_248 : i32 to index
          %swap3A_250 = arith.constant 32 : index
          %swap3A_251 = tpu.vector_load %arg9[%swap3A_249, %swap3A_250] {strides = array<i32>} : memref<128x64xf32, #tpu.memory_space<vmem>>, vector<1x16xf32>,
          %swap3A_252 = vector.shape_cast %swap3A_251 : vector<1x16xf32> to vector<16xf32>
          %swap3A_253 = vector.shape_cast %get3A_246 : vector<16xf32> to vector<1x16xf32>
          tpu.vector_store %arg9[%swap3A_249, %swap3A_250], %swap3A_253 {strides = array<i32>} : memref<128x64xf32, #tpu.memory_space<vmem>>, vector<1x16xf32>,
          %add3A_254 = arith.constant 2 : i32
          %add3A_255 = arith.addi %mul3A_112, %add3A_254 : i32
          %get3A_256 = arith.index_cast %add3A_255 : i32 to index
          %get3A_257 = arith.constant 48 : index
          %get3A_258 = tpu.vector_load %arg7[%get3A_256, %get3A_257] {strides = array<i32>} : memref<128x128xf32, #tpu.memory_space<vmem>>, vector<1x16xf32>,
          %get3A_259 = vector.shape_cast %get3A_258 : vector<1x16xf32> to vector<16xf32>
          %add3A_260 = arith.constant 2 : i32
          %add3A_261 = arith.addi %mul3A_112, %add3A_260 : i32
          %swap3A_262 = arith.index_cast %add3A_261 : i32 to index
          %swap3A_263 = arith.constant 48 : index
          %swap3A_264 = tpu.vector_load %arg9[%swap3A_262, %swap3A_263] {strides = array<i32>} : memref<128x64xf32, #tpu.memory_space<vmem>>, vector<1x16xf32>,
          %swap3A_265 = vector.shape_cast %swap3A_264 : vector<1x16xf32> to vector<16xf32>
          %swap3A_266 = vector.shape_cast %get3A_259 : vector<16xf32> to vector<1x16xf32>
          tpu.vector_store %arg9[%swap3A_262, %swap3A_263], %swap3A_266 {strides = array<i32>} : memref<128x64xf32, #tpu.memory_space<vmem>>, vector<1x16xf32>,
          %add3A_267 = arith.constant 3 : i32
          %add3A_268 = arith.addi %mul3A_112, %add3A_267 : i32
          %get3A_269 = arith.index_cast %add3A_268 : i32 to index
          %get3A_270 = arith.constant 0 : index
          %get3A_271 = tpu.vector_load %arg7[%get3A_269, %get3A_270] {strides = array<i32>} : memref<128x128xf32, #tpu.memory_space<vmem>>, vector<1x16xf32>,
          %get3A_272 = vector.shape_cast %get3A_271 : vector<1x16xf32> to vector<16xf32>
          %add3A_273 = arith.constant 3 : i32
          %add3A_274 = arith.addi %mul3A_112, %add3A_273 : i32
          %swap3A_275 = arith.index_cast %add3A_274 : i32 to index
          %swap3A_276 = arith.constant 0 : index
          %swap3A_277 = tpu.vector_load %arg9[%swap3A_275, %swap3A_276] {strides = array<i32>} : memref<128x64xf32, #tpu.memory_space<vmem>>, vector<1x16xf32>,
          %swap3A_278 = vector.shape_cast %swap3A_277 : vector<1x16xf32> to vector<16xf32>
          %swap3A_279 = vector.shape_cast %get3A_272 : vector<16xf32> to vector<1x16xf32>
          tpu.vector_store %arg9[%swap3A_275, %swap3A_276], %swap3A_279 {strides = array<i32>} : memref<128x64xf32, #tpu.memory_space<vmem>>, vector<1x16xf32>,
          %add3A_280 = arith.constant 3 : i32
          %add3A_281 = arith.addi %mul3A_112, %add3A_280 : i32
          %get3A_282 = arith.index_cast %add3A_281 : i32 to index
          %get3A_283 = arith.constant 16 : index
          %get3A_284 = tpu.vector_load %arg7[%get3A_282, %get3A_283] {strides = array<i32>} : memref<128x128xf32, #tpu.memory_space<vmem>>, vector<1x16xf32>,
          %get3A_285 = vector.shape_cast %get3A_284 : vector<1x16xf32> to vector<16xf32>
          %add3A_286 = arith.constant 3 : i32
          %add3A_287 = arith.addi %mul3A_112, %add3A_286 : i32
          %swap3A_288 = arith.index_cast %add3A_287 : i32 to index
          %swap3A_289 = arith.constant 16 : index
          %swap3A_290 = tpu.vector_load %arg9[%swap3A_288, %swap3A_289] {strides = array<i32>} : memref<128x64xf32, #tpu.memory_space<vmem>>, vector<1x16xf32>,
          %swap3A_291 = vector.shape_cast %swap3A_290 : vector<1x16xf32> to vector<16xf32>
          %swap3A_292 = vector.shape_cast %get3A_285 : vector<16xf32> to vector<1x16xf32>
          tpu.vector_store %arg9[%swap3A_288, %swap3A_289], %swap3A_292 {strides = array<i32>} : memref<128x64xf32, #tpu.memory_space<vmem>>, vector<1x16xf32>,
          %add3A_293 = arith.constant 3 : i32
          %add3A_294 = arith.addi %mul3A_112, %add3A_293 : i32
          %get3A_295 = arith.index_cast %add3A_294 : i32 to index
          %get3A_296 = arith.constant 32 : index
          %get3A_297 = tpu.vector_load %arg7[%get3A_295, %get3A_296] {strides = array<i32>} : memref<128x128xf32, #tpu.memory_space<vmem>>, vector<1x16xf32>,
          %get3A_298 = vector.shape_cast %get3A_297 : vector<1x16xf32> to vector<16xf32>
          %add3A_299 = arith.constant 3 : i32
          %add3A_300 = arith.addi %mul3A_112, %add3A_299 : i32
          %swap3A_301 = arith.index_cast %add3A_300 : i32 to index
          %swap3A_302 = arith.constant 32 : index
          %swap3A_303 = tpu.vector_load %arg9[%swap3A_301, %swap3A_302] {strides = array<i32>} : memref<128x64xf32, #tpu.memory_space<vmem>>, vector<1x16xf32>,
          %swap3A_304 = vector.shape_cast %swap3A_303 : vector<1x16xf32> to vector<16xf32>
          %swap3A_305 = vector.shape_cast %get3A_298 : vector<16xf32> to vector<1x16xf32>
          tpu.vector_store %arg9[%swap3A_301, %swap3A_302], %swap3A_305 {strides = array<i32>} : memref<128x64xf32, #tpu.memory_space<vmem>>, vector<1x16xf32>,
          %add3A_306 = arith.constant 3 : i32
          %add3A_307 = arith.addi %mul3A_112, %add3A_306 : i32
          %get3A_308 = arith.index_cast %add3A_307 : i32 to index
          %get3A_309 = arith.constant 48 : index
          %get3A_310 = tpu.vector_load %arg7[%get3A_308, %get3A_309] {strides = array<i32>} : memref<128x128xf32, #tpu.memory_space<vmem>>, vector<1x16xf32>,
          %get3A_311 = vector.shape_cast %get3A_310 : vector<1x16xf32> to vector<16xf32>
          %add3A_312 = arith.constant 3 : i32
          %add3A_313 = arith.addi %mul3A_112, %add3A_312 : i32
          %swap3A_314 = arith.index_cast %add3A_313 : i32 to index
          %swap3A_315 = arith.constant 48 : index
          %swap3A_316 = tpu.vector_load %arg9[%swap3A_314, %swap3A_315] {strides = array<i32>} : memref<128x64xf32, #tpu.memory_space<vmem>>, vector<1x16xf32>,
          %swap3A_317 = vector.shape_cast %swap3A_316 : vector<1x16xf32> to vector<16xf32>
          %swap3A_318 = vector.shape_cast %get3A_311 : vector<16xf32> to vector<1x16xf32>
          tpu.vector_store %arg9[%swap3A_314, %swap3A_315], %swap3A_318 {strides = array<i32>} : memref<128x64xf32, #tpu.memory_space<vmem>>, vector<1x16xf32>,
          %add3A_319 = arith.constant 4 : i32
          %add3A_320 = arith.addi %mul3A_112, %add3A_319 : i32
          %get3A_321 = arith.index_cast %add3A_320 : i32 to index
          %get3A_322 = arith.constant 0 : index
          %get3A_323 = tpu.vector_load %arg7[%get3A_321, %get3A_322] {strides = array<i32>} : memref<128x128xf32, #tpu.memory_space<vmem>>, vector<1x16xf32>,
          %get3A_324 = vector.shape_cast %get3A_323 : vector<1x16xf32> to vector<16xf32>
          %add3A_325 = arith.constant 4 : i32
          %add3A_326 = arith.addi %mul3A_112, %add3A_325 : i32
          %swap3A_327 = arith.index_cast %add3A_326 : i32 to index
          %swap3A_328 = arith.constant 0 : index
          %swap3A_329 = tpu.vector_load %arg9[%swap3A_327, %swap3A_328] {strides = array<i32>} : memref<128x64xf32, #tpu.memory_space<vmem>>, vector<1x16xf32>,
          %swap3A_330 = vector.shape_cast %swap3A_329 : vector<1x16xf32> to vector<16xf32>
          %swap3A_331 = vector.shape_cast %get3A_324 : vector<16xf32> to vector<1x16xf32>
          tpu.vector_store %arg9[%swap3A_327, %swap3A_328], %swap3A_331 {strides = array<i32>} : memref<128x64xf32, #tpu.memory_space<vmem>>, vector<1x16xf32>,
          %add3A_332 = arith.constant 4 : i32
          %add3A_333 = arith.addi %mul3A_112, %add3A_332 : i32
          %get3A_334 = arith.index_cast %add3A_333 : i32 to index
          %get3A_335 = arith.constant 16 : index
          %get3A_336 = tpu.vector_load %arg7[%get3A_334, %get3A_335] {strides = array<i32>} : memref<128x128xf32, #tpu.memory_space<vmem>>, vector<1x16xf32>,
          %get3A_337 = vector.shape_cast %get3A_336 : vector<1x16xf32> to vector<16xf32>
          %add3A_338 = arith.constant 4 : i32
          %add3A_339 = arith.addi %mul3A_112, %add3A_338 : i32
          %swap3A_340 = arith.index_cast %add3A_339 : i32 to index
          %swap3A_341 = arith.constant 16 : index
          %swap3A_342 = tpu.vector_load %arg9[%swap3A_340, %swap3A_341] {strides = array<i32>} : memref<128x64xf32, #tpu.memory_space<vmem>>, vector<1x16xf32>,
          %swap3A_343 = vector.shape_cast %swap3A_342 : vector<1x16xf32> to vector<16xf32>
          %swap3A_344 = vector.shape_cast %get3A_337 : vector<16xf32> to vector<1x16xf32>
          tpu.vector_store %arg9[%swap3A_340, %swap3A_341], %swap3A_344 {strides = array<i32>} : memref<128x64xf32, #tpu.memory_space<vmem>>, vector<1x16xf32>,
          %add3A_345 = arith.constant 4 : i32
          %add3A_346 = arith.addi %mul3A_112, %add3A_345 : i32
          %get3A_347 = arith.index_cast %add3A_346 : i32 to index
          %get3A_348 = arith.constant 32 : index
          %get3A_349 = tpu.vector_load %arg7[%get3A_347, %get3A_348] {strides = array<i32>} : memref<128x128xf32, #tpu.memory_space<vmem>>, vector<1x16xf32>,
          %get3A_350 = vector.shape_cast %get3A_349 : vector<1x16xf32> to vector<16xf32>
          %add3A_351 = arith.constant 4 : i32
          %add3A_352 = arith.addi %mul3A_112, %add3A_351 : i32
          %swap3A_353 = arith.index_cast %add3A_352 : i32 to index
          %swap3A_354 = arith.constant 32 : index
          %swap3A_355 = tpu.vector_load %arg9[%swap3A_353, %swap3A_354] {strides = array<i32>} : memref<128x64xf32, #tpu.memory_space<vmem>>, vector<1x16xf32>,
          %swap3A_356 = vector.shape_cast %swap3A_355 : vector<1x16xf32> to vector<16xf32>
          %swap3A_357 = vector.shape_cast %get3A_350 : vector<16xf32> to vector<1x16xf32>
          tpu.vector_store %arg9[%swap3A_353, %swap3A_354], %swap3A_357 {strides = array<i32>} : memref<128x64xf32, #tpu.memory_space<vmem>>, vector<1x16xf32>,
          %add3A_358 = arith.constant 4 : i32
          %add3A_359 = arith.addi %mul3A_112, %add3A_358 : i32
          %get3A_360 = arith.index_cast %add3A_359 : i32 to index
          %get3A_361 = arith.constant 48 : index
          %get3A_362 = tpu.vector_load %arg7[%get3A_360, %get3A_361] {strides = array<i32>} : memref<128x128xf32, #tpu.memory_space<vmem>>, vector<1x16xf32>,
          %get3A_363 = vector.shape_cast %get3A_362 : vector<1x16xf32> to vector<16xf32>
          %add3A_364 = arith.constant 4 : i32
          %add3A_365 = arith.addi %mul3A_112, %add3A_364 : i32
          %swap3A_366 = arith.index_cast %add3A_365 : i32 to index
          %swap3A_367 = arith.constant 48 : index
          %swap3A_368 = tpu.vector_load %arg9[%swap3A_366, %swap3A_367] {strides = array<i32>} : memref<128x64xf32, #tpu.memory_space<vmem>>, vector<1x16xf32>,
          %swap3A_369 = vector.shape_cast %swap3A_368 : vector<1x16xf32> to vector<16xf32>
          %swap3A_370 = vector.shape_cast %get3A_363 : vector<16xf32> to vector<1x16xf32>
          tpu.vector_store %arg9[%swap3A_366, %swap3A_367], %swap3A_370 {strides = array<i32>} : memref<128x64xf32, #tpu.memory_space<vmem>>, vector<1x16xf32>,
          %add3A_371 = arith.constant 5 : i32
          %add3A_372 = arith.addi %mul3A_112, %add3A_371 : i32
          %get3A_373 = arith.index_cast %add3A_372 : i32 to index
          %get3A_374 = arith.constant 0 : index
          %get3A_375 = tpu.vector_load %arg7[%get3A_373, %get3A_374] {strides = array<i32>} : memref<128x128xf32, #tpu.memory_space<vmem>>, vector<1x16xf32>,
          %get3A_376 = vector.shape_cast %get3A_375 : vector<1x16xf32> to vector<16xf32>
          %add3A_377 = arith.constant 5 : i32
          %add3A_378 = arith.addi %mul3A_112, %add3A_377 : i32
          %swap3A_379 = arith.index_cast %add3A_378 : i32 to index
          %swap3A_380 = arith.constant 0 : index
          %swap3A_381 = tpu.vector_load %arg9[%swap3A_379, %swap3A_380] {strides = array<i32>} : memref<128x64xf32, #tpu.memory_space<vmem>>, vector<1x16xf32>,
          %swap3A_382 = vector.shape_cast %swap3A_381 : vector<1x16xf32> to vector<16xf32>
          %swap3A_383 = vector.shape_cast %get3A_376 : vector<16xf32> to vector<1x16xf32>
          tpu.vector_store %arg9[%swap3A_379, %swap3A_380], %swap3A_383 {strides = array<i32>} : memref<128x64xf32, #tpu.memory_space<vmem>>, vector<1x16xf32>,
          %add3A_384 = arith.constant 5 : i32
          %add3A_385 = arith.addi %mul3A_112, %add3A_384 : i32
          %get3A_386 = arith.index_cast %add3A_385 : i32 to index
          %get3A_387 = arith.constant 16 : index
          %get3A_388 = tpu.vector_load %arg7[%get3A_386, %get3A_387] {strides = array<i32>} : memref<128x128xf32, #tpu.memory_space<vmem>>, vector<1x16xf32>,
          %get3A_389 = vector.shape_cast %get3A_388 : vector<1x16xf32> to vector<16xf32>
          %add3A_390 = arith.constant 5 : i32
          %add3A_391 = arith.addi %mul3A_112, %add3A_390 : i32
          %swap3A_392 = arith.index_cast %add3A_391 : i32 to index
          %swap3A_393 = arith.constant 16 : index
          %swap3A_394 = tpu.vector_load %arg9[%swap3A_392, %swap3A_393] {strides = array<i32>} : memref<128x64xf32, #tpu.memory_space<vmem>>, vector<1x16xf32>,
          %swap3A_395 = vector.shape_cast %swap3A_394 : vector<1x16xf32> to vector<16xf32>
          %swap3A_396 = vector.shape_cast %get3A_389 : vector<16xf32> to vector<1x16xf32>
          tpu.vector_store %arg9[%swap3A_392, %swap3A_393], %swap3A_396 {strides = array<i32>} : memref<128x64xf32, #tpu.memory_space<vmem>>, vector<1x16xf32>,
          %add3A_397 = arith.constant 5 : i32
          %add3A_398 = arith.addi %mul3A_112, %add3A_397 : i32
          %get3A_399 = arith.index_cast %add3A_398 : i32 to index
          %get3A_400 = arith.constant 32 : index
          %get3A_401 = tpu.vector_load %arg7[%get3A_399, %get3A_400] {strides = array<i32>} : memref<128x128xf32, #tpu.memory_space<vmem>>, vector<1x16xf32>,
          %get3A_402 = vector.shape_cast %get3A_401 : vector<1x16xf32> to vector<16xf32>
          %add3A_403 = arith.constant 5 : i32
          %add3A_404 = arith.addi %mul3A_112, %add3A_403 : i32
          %swap3A_405 = arith.index_cast %add3A_404 : i32 to index
          %swap3A_406 = arith.constant 32 : index
          %swap3A_407 = tpu.vector_load %arg9[%swap3A_405, %swap3A_406] {strides = array<i32>} : memref<128x64xf32, #tpu.memory_space<vmem>>, vector<1x16xf32>,
          %swap3A_408 = vector.shape_cast %swap3A_407 : vector<1x16xf32> to vector<16xf32>
          %swap3A_409 = vector.shape_cast %get3A_402 : vector<16xf32> to vector<1x16xf32>
          tpu.vector_store %arg9[%swap3A_405, %swap3A_406], %swap3A_409 {strides = array<i32>} : memref<128x64xf32, #tpu.memory_space<vmem>>, vector<1x16xf32>,
          %add3A_410 = arith.constant 5 : i32
          %add3A_411 = arith.addi %mul3A_112, %add3A_410 : i32
          %get3A_412 = arith.index_cast %add3A_411 : i32 to index
          %get3A_413 = arith.constant 48 : index
          %get3A_414 = tpu.vector_load %arg7[%get3A_412, %get3A_413] {strides = array<i32>} : memref<128x128xf32, #tpu.memory_space<vmem>>, vector<1x16xf32>,
          %get3A_415 = vector.shape_cast %get3A_414 : vector<1x16xf32> to vector<16xf32>
          %add3A_416 = arith.constant 5 : i32
          %add3A_417 = arith.addi %mul3A_112, %add3A_416 : i32
          %swap3A_418 = arith.index_cast %add3A_417 : i32 to index
          %swap3A_419 = arith.constant 48 : index
          %swap3A_420 = tpu.vector_load %arg9[%swap3A_418, %swap3A_419] {strides = array<i32>} : memref<128x64xf32, #tpu.memory_space<vmem>>, vector<1x16xf32>,
          %swap3A_421 = vector.shape_cast %swap3A_420 : vector<1x16xf32> to vector<16xf32>
          %swap3A_422 = vector.shape_cast %get3A_415 : vector<16xf32> to vector<1x16xf32>
          tpu.vector_store %arg9[%swap3A_418, %swap3A_419], %swap3A_422 {strides = array<i32>} : memref<128x64xf32, #tpu.memory_space<vmem>>, vector<1x16xf32>,
          %add3A_423 = arith.constant 6 : i32
          %add3A_424 = arith.addi %mul3A_112, %add3A_423 : i32
          %get3A_425 = arith.index_cast %add3A_424 : i32 to index
          %get3A_426 = arith.constant 0 : index
          %get3A_427 = tpu.vector_load %arg7[%get3A_425, %get3A_426] {strides = array<i32>} : memref<128x128xf32, #tpu.memory_space<vmem>>, vector<1x16xf32>,
          %get3A_428 = vector.shape_cast %get3A_427 : vector<1x16xf32> to vector<16xf32>
          %add3A_429 = arith.constant 6 : i32
          %add3A_430 = arith.addi %mul3A_112, %add3A_429 : i32
          %swap3A_431 = arith.index_cast %add3A_430 : i32 to index
          %swap3A_432 = arith.constant 0 : index
          %swap3A_433 = tpu.vector_load %arg9[%swap3A_431, %swap3A_432] {strides = array<i32>} : memref<128x64xf32, #tpu.memory_space<vmem>>, vector<1x16xf32>,
          %swap3A_434 = vector.shape_cast %swap3A_433 : vector<1x16xf32> to vector<16xf32>
          %swap3A_435 = vector.shape_cast %get3A_428 : vector<16xf32> to vector<1x16xf32>
          tpu.vector_store %arg9[%swap3A_431, %swap3A_432], %swap3A_435 {strides = array<i32>} : memref<128x64xf32, #tpu.memory_space<vmem>>, vector<1x16xf32>,
          %add3A_436 = arith.constant 6 : i32
          %add3A_437 = arith.addi %mul3A_112, %add3A_436 : i32
          %get3A_438 = arith.index_cast %add3A_437 : i32 to index
          %get3A_439 = arith.constant 16 : index
          %get3A_440 = tpu.vector_load %arg7[%get3A_438, %get3A_439] {strides = array<i32>} : memref<128x128xf32, #tpu.memory_space<vmem>>, vector<1x16xf32>,
          %get3A_441 = vector.shape_cast %get3A_440 : vector<1x16xf32> to vector<16xf32>
          %add3A_442 = arith.constant 6 : i32
          %add3A_443 = arith.addi %mul3A_112, %add3A_442 : i32
          %swap3A_444 = arith.index_cast %add3A_443 : i32 to index
          %swap3A_445 = arith.constant 16 : index
          %swap3A_446 = tpu.vector_load %arg9[%swap3A_444, %swap3A_445] {strides = array<i32>} : memref<128x64xf32, #tpu.memory_space<vmem>>, vector<1x16xf32>,
          %swap3A_447 = vector.shape_cast %swap3A_446 : vector<1x16xf32> to vector<16xf32>
          %swap3A_448 = vector.shape_cast %get3A_441 : vector<16xf32> to vector<1x16xf32>
          tpu.vector_store %arg9[%swap3A_444, %swap3A_445], %swap3A_448 {strides = array<i32>} : memref<128x64xf32, #tpu.memory_space<vmem>>, vector<1x16xf32>,
          %add3A_449 = arith.constant 6 : i32
          %add3A_450 = arith.addi %mul3A_112, %add3A_449 : i32
          %get3A_451 = arith.index_cast %add3A_450 : i32 to index
          %get3A_452 = arith.constant 32 : index
          %get3A_453 = tpu.vector_load %arg7[%get3A_451, %get3A_452] {strides = array<i32>} : memref<128x128xf32, #tpu.memory_space<vmem>>, vector<1x16xf32>,
          %get3A_454 = vector.shape_cast %get3A_453 : vector<1x16xf32> to vector<16xf32>
          %add3A_455 = arith.constant 6 : i32
          %add3A_456 = arith.addi %mul3A_112, %add3A_455 : i32
          %swap3A_457 = arith.index_cast %add3A_456 : i32 to index
          %swap3A_458 = arith.constant 32 : index
          %swap3A_459 = tpu.vector_load %arg9[%swap3A_457, %swap3A_458] {strides = array<i32>} : memref<128x64xf32, #tpu.memory_space<vmem>>, vector<1x16xf32>,
          %swap3A_460 = vector.shape_cast %swap3A_459 : vector<1x16xf32> to vector<16xf32>
          %swap3A_461 = vector.shape_cast %get3A_454 : vector<16xf32> to vector<1x16xf32>
          tpu.vector_store %arg9[%swap3A_457, %swap3A_458], %swap3A_461 {strides = array<i32>} : memref<128x64xf32, #tpu.memory_space<vmem>>, vector<1x16xf32>,
          %add3A_462 = arith.constant 6 : i32
          %add3A_463 = arith.addi %mul3A_112, %add3A_462 : i32
          %get3A_464 = arith.index_cast %add3A_463 : i32 to index
          %get3A_465 = arith.constant 48 : index
          %get3A_466 = tpu.vector_load %arg7[%get3A_464, %get3A_465] {strides = array<i32>} : memref<128x128xf32, #tpu.memory_space<vmem>>, vector<1x16xf32>,
          %get3A_467 = vector.shape_cast %get3A_466 : vector<1x16xf32> to vector<16xf32>
          %add3A_468 = arith.constant 6 : i32
          %add3A_469 = arith.addi %mul3A_112, %add3A_468 : i32
          %swap3A_470 = arith.index_cast %add3A_469 : i32 to index
          %swap3A_471 = arith.constant 48 : index
          %swap3A_472 = tpu.vector_load %arg9[%swap3A_470, %swap3A_471] {strides = array<i32>} : memref<128x64xf32, #tpu.memory_space<vmem>>, vector<1x16xf32>,
          %swap3A_473 = vector.shape_cast %swap3A_472 : vector<1x16xf32> to vector<16xf32>
          %swap3A_474 = vector.shape_cast %get3A_467 : vector<16xf32> to vector<1x16xf32>
          tpu.vector_store %arg9[%swap3A_470, %swap3A_471], %swap3A_474 {strides = array<i32>} : memref<128x64xf32, #tpu.memory_space<vmem>>, vector<1x16xf32>,
          %add3A_475 = arith.constant 7 : i32
          %add3A_476 = arith.addi %mul3A_112, %add3A_475 : i32
          %get3A_477 = arith.index_cast %add3A_476 : i32 to index
          %get3A_478 = arith.constant 0 : index
          %get3A_479 = tpu.vector_load %arg7[%get3A_477, %get3A_478] {strides = array<i32>} : memref<128x128xf32, #tpu.memory_space<vmem>>, vector<1x16xf32>,
          %get3A_480 = vector.shape_cast %get3A_479 : vector<1x16xf32> to vector<16xf32>
          %add3A_481 = arith.constant 7 : i32
          %add3A_482 = arith.addi %mul3A_112, %add3A_481 : i32
          %swap3A_483 = arith.index_cast %add3A_482 : i32 to index
          %swap3A_484 = arith.constant 0 : index
          %swap3A_485 = tpu.vector_load %arg9[%swap3A_483, %swap3A_484] {strides = array<i32>} : memref<128x64xf32, #tpu.memory_space<vmem>>, vector<1x16xf32>,
          %swap3A_486 = vector.shape_cast %swap3A_485 : vector<1x16xf32> to vector<16xf32>
          %swap3A_487 = vector.shape_cast %get3A_480 : vector<16xf32> to vector<1x16xf32>
          tpu.vector_store %arg9[%swap3A_483, %swap3A_484], %swap3A_487 {strides = array<i32>} : memref<128x64xf32, #tpu.memory_space<vmem>>, vector<1x16xf32>,
          %add3A_488 = arith.constant 7 : i32
          %add3A_489 = arith.addi %mul3A_112, %add3A_488 : i32
          %get3A_490 = arith.index_cast %add3A_489 : i32 to index
          %get3A_491 = arith.constant 16 : index
          %get3A_492 = tpu.vector_load %arg7[%get3A_490, %get3A_491] {strides = array<i32>} : memref<128x128xf32, #tpu.memory_space<vmem>>, vector<1x16xf32>,
          %get3A_493 = vector.shape_cast %get3A_492 : vector<1x16xf32> to vector<16xf32>
          %add3A_494 = arith.constant 7 : i32
          %add3A_495 = arith.addi %mul3A_112, %add3A_494 : i32
          %swap3A_496 = arith.index_cast %add3A_495 : i32 to index
          %swap3A_497 = arith.constant 16 : index
          %swap3A_498 = tpu.vector_load %arg9[%swap3A_496, %swap3A_497] {strides = array<i32>} : memref<128x64xf32, #tpu.memory_space<vmem>>, vector<1x16xf32>,
          %swap3A_499 = vector.shape_cast %swap3A_498 : vector<1x16xf32> to vector<16xf32>
          %swap3A_500 = vector.shape_cast %get3A_493 : vector<16xf32> to vector<1x16xf32>
          tpu.vector_store %arg9[%swap3A_496, %swap3A_497], %swap3A_500 {strides = array<i32>} : memref<128x64xf32, #tpu.memory_space<vmem>>, vector<1x16xf32>,
          %add3A_501 = arith.constant 7 : i32
          %add3A_502 = arith.addi %mul3A_112, %add3A_501 : i32
          %get3A_503 = arith.index_cast %add3A_502 : i32 to index
          %get3A_504 = arith.constant 32 : index
          %get3A_505 = tpu.vector_load %arg7[%get3A_503, %get3A_504] {strides = array<i32>} : memref<128x128xf32, #tpu.memory_space<vmem>>, vector<1x16xf32>,
          %get3A_506 = vector.shape_cast %get3A_505 : vector<1x16xf32> to vector<16xf32>
          %add3A_507 = arith.constant 7 : i32
          %add3A_508 = arith.addi %mul3A_112, %add3A_507 : i32
          %swap3A_509 = arith.index_cast %add3A_508 : i32 to index
          %swap3A_510 = arith.constant 32 : index
          %swap3A_511 = tpu.vector_load %arg9[%swap3A_509, %swap3A_510] {strides = array<i32>} : memref<128x64xf32, #tpu.memory_space<vmem>>, vector<1x16xf32>,
          %swap3A_512 = vector.shape_cast %swap3A_511 : vector<1x16xf32> to vector<16xf32>
          %swap3A_513 = vector.shape_cast %get3A_506 : vector<16xf32> to vector<1x16xf32>
          tpu.vector_store %arg9[%swap3A_509, %swap3A_510], %swap3A_513 {strides = array<i32>} : memref<128x64xf32, #tpu.memory_space<vmem>>, vector<1x16xf32>,
          %add3A_514 = arith.constant 7 : i32
          %add3A_515 = arith.addi %mul3A_112, %add3A_514 : i32
          %get3A_516 = arith.index_cast %add3A_515 : i32 to index
          %get3A_517 = arith.constant 48 : index
          %get3A_518 = tpu.vector_load %arg7[%get3A_516, %get3A_517] {strides = array<i32>} : memref<128x128xf32, #tpu.memory_space<vmem>>, vector<1x16xf32>,
          %get3A_519 = vector.shape_cast %get3A_518 : vector<1x16xf32> to vector<16xf32>
          %add3A_520 = arith.constant 7 : i32
          %add3A_521 = arith.addi %mul3A_112, %add3A_520 : i32
          %swap3A_522 = arith.index_cast %add3A_521 : i32 to index
          %swap3A_523 = arith.constant 48 : index
          %swap3A_524 = tpu.vector_load %arg9[%swap3A_522, %swap3A_523] {strides = array<i32>} : memref<128x64xf32, #tpu.memory_space<vmem>>, vector<1x16xf32>,
          %swap3A_525 = vector.shape_cast %swap3A_524 : vector<1x16xf32> to vector<16xf32>
          %swap3A_526 = vector.shape_cast %get3A_519 : vector<16xf32> to vector<1x16xf32>
          tpu.vector_store %arg9[%swap3A_522, %swap3A_523], %swap3A_526 {strides = array<i32>} : memref<128x64xf32, #tpu.memory_space<vmem>>, vector<1x16xf32>,
        }
        %scan3A_103 = arith.constant 16 : i32
        %mul3A_104 = arith.constant 128 : i32
        %mul3A_105 = arith.muli %add3A_89, %mul3A_104 : i32
        %dma_start3A_106 = arith.constant 0 : i32
        %dma_start3A_107 = tpu.memref_slice %arg4[%mul3A_105, %dma_start3A_106] : memref<3276800x64xf32, #tpu.memory_space<hbm>> -> memref<128x64xf32, #tpu.memory_space<hbm>>
        %dma_start3A_108 = arith.constant 0 : i32
        %dma_start3A_109 = tpu.memref_slice %arg4[%mul3A_105, %dma_start3A_108] : memref<3276800x64xf32, #tpu.memory_space<hbm>> -> memref<128x64xf32, #tpu.memory_space<hbm>>
        tpu.enqueue_dma source(%arg9 : memref<128x64xf32, #tpu.memory_space<vmem>>) target(%dma_start3A_109 : memref<128x64xf32, #tpu.memory_space<hbm>>) target_semaphore(%arg14 : memref<!tpu.dma_semaphore, #tpu.memory_space<semaphore_mem>>)
      }
      %scan3A_19 = arith.constant 40 : i32
      %add3A_20 = arith.constant 80 : i32
      %add3A_21 = arith.addi %add3A_13, %add3A_20 : i32
      %sub3A = arith.constant 2 : i32
      %sub3A_22 = arith.subi %add3A_21, %sub3A : i32
      %add3A_23 = arith.constant 0 : i32
      %add3A_24 = arith.addi %sub3A_22, %add3A_23 : i32
      %mul3A_25 = arith.constant 128 : i32
      %mul3A_26 = arith.muli %add3A_24, %mul3A_25 : i32
      %dma_wait3A = arith.constant 0 : i32
      %dma_wait3A_27 = tpu.memref_slice %arg4[%mul3A_26, %dma_wait3A] : memref<3276800x64xf32, #tpu.memory_space<hbm>> -> memref<128x64xf32, #tpu.memory_space<hbm>>
      %dma_wait3A_28 = arith.constant 0 : i32
      %dma_wait3A_29 = tpu.memref_slice %arg4[%mul3A_26, %dma_wait3A_28] : memref<3276800x64xf32, #tpu.memory_space<hbm>> -> memref<128x64xf32, #tpu.memory_space<hbm>>
      tpu.wait_dma2 semaphore(%arg13 : memref<!tpu.dma_semaphore, #tpu.memory_space<semaphore_mem>>) src(%arg8 : memref<128x64xf32, #tpu.memory_space<vmem>>) dst(%dma_wait3A_29 : memref<128x64xf32, #tpu.memory_space<hbm>>)
      %add3A_30 = arith.constant 80 : i32
      %add3A_31 = arith.addi %add3A_13, %add3A_30 : i32
      %sub3A_32 = arith.constant 2 : i32
      %sub3A_33 = arith.subi %add3A_31, %sub3A_32 : i32
      %add3A_34 = arith.constant 1 : i32
      %add3A_35 = arith.addi %sub3A_33, %add3A_34 : i32
      %mul3A_36 = arith.constant 128 : i32
      %mul3A_37 = arith.muli %add3A_35, %mul3A_36 : i32
      %dma_wait3A_38 = arith.constant 0 : i32
      %dma_wait3A_39 = tpu.memref_slice %arg4[%mul3A_37, %dma_wait3A_38] : memref<3276800x64xf32, #tpu.memory_space<hbm>> -> memref<128x64xf32, #tpu.memory_space<hbm>>
      %dma_wait3A_40 = arith.constant 0 : i32
      %dma_wait3A_41 = tpu.memref_slice %arg4[%mul3A_37, %dma_wait3A_40] : memref<3276800x64xf32, #tpu.memory_space<hbm>> -> memref<128x64xf32, #tpu.memory_space<hbm>>
      tpu.wait_dma2 semaphore(%arg14 : memref<!tpu.dma_semaphore, #tpu.memory_space<semaphore_mem>>) src(%arg9 : memref<128x64xf32, #tpu.memory_space<vmem>>) dst(%dma_wait3A_41 : memref<128x64xf32, #tpu.memory_space<hbm>>)
    }
    %scan3A_9 = arith.constant 10 : i32
    return
  }
}

</mosaic_0001>

<sc_bundles>
// kernel: kernel.3.cloned.1.call-start
scs
__scs_entry_jumppad:
0x0: {  	(pc) =	sbr.rel $0x88, $3  }
0x1: {  	(tag) =	ssettag $0x0;
	lr =	simm.s32 $0x1  }
0x2: {  	[smem:$0x3F9F] =	sst lr;
	_ =	strace $0xD0000000  }
0x3: {  	_ = 	snop  }
0x4: {  	_ = 	snop  }
0x5: {  	_ = 	snop  }
0x6: {  	_ = 	snop  }
0x7: {  	_ = 	snop  }
__scs_overlays_trampoline_lowered:
0x8: {  	[smem:$0x3FAE] =	sst s0  }
0x9: {  	[smem:$0x3FAF] =	sst s1  }
0xa: {  	[smem:$0x3FB0] =	sst s2  }
0xb: {  	[smem:$0x3FB1] =	sst s3  }
0xc: {  	[smem:$0x3FB2] =	sst s4  }
0xd: {  	[smem:$0x3FB3] =	sst s5  }
0xe: {  	[smem:$0x3FB4] =	sst s6  }
0xf: {  	[smem:$0x3FB5] =	sst s7  }
0x10: {  	[smem:$0x3FB6] =	sst s8  }
0x11: {  	[smem:$0x3FB7] =	sst s9;
	s0 =	simm.s32 @!p0 $0x0  }
0x12: {  	s1 =	sld [smem:$0x3F9D];
	s0 =	simm.s32 @p0 $0x1  }
0x13: {  	[smem:$0x3FB8] =	sst s0;
	s0 =	simm.s32 @!p1 $0x0  }
0x14: {  	s2 =	sld [smem:$0x3F9C];
	s0 =	simm.s32 @p1 $0x1  }
0x15: {  	[smem:$0x3FB9] =	sst s0;
	s0 =	simm.s32 @!p2 $0x0  }
0x16: {  	s3 =	sld [smem:$0x3FDB];
	s0 =	simm.s32 @p2 $0x1  }
0x17: {  	s4 =	simm.s32 $0x1BF5;
	[smem:$0x3FBB] =	sst s0  }
0x18: {  	s0 =	sld [smem:$0x3F9E];
	_ =	swait.ge [sflag:s4], $0x0  }
0x19: {  	s7 =	sld [smem:$0x3F9F]  }
0x1a: {  	s8 =	sadd.s32 $0xFFFFE003, lr  }
0x1b: {  	s9 =	sadd.s32 $0xFFFFFEF7, lr;
	s5 =	simm.s32 $0xFFFFFFFF;
	p2 =	slt.u32 s8, $0xFFFFF086  }
0x1c: {  	p1 =	slt.u32 s9, $0xF7A;
	s5 =	simm.s32 @!p2 $0x0  }
0x1d: {  	s5 =	simm.s32 @p1 $0x1;
	p0 =	seq.s32 s7, s2  }
0x1e: {  	s7 =	smul.u32 @!p0 $0xF7A, s2;
	p2 =	seq.s32 @!p0 s5, $0x0  }
0x1f: {  	s9 =	smul.u32 $0xF7A, s1;
	s8 =	simm.s32 @!p0 $0x1BF5;
	p2 =	por !p2, p0  }
0x20: {  	[sflag:s8] =	ssyncset.s32 @!p0 $0xFFFFF086;
	s6 =	sadd.s32 @!p0 s3, s7;
	s7 =	simm.s32 @!p0 $0x108  }
0x21: {  	s3 =	sadd.s32 s3, s9;
	s6 =	sadd.s32 @!p0 $0x88, s6;
	s7 =	simm.s32 @p2 $0x1082  }
0x22: {  	[simem:s7], [sflag:s8] =	dma.local @!p0 [hbm:s6], $0xF7A  }
0x23: {  	s9 =	sor.u32 $0xD0000000, s2;
	s6 =	simm.s32 $0x108;
	_ =	swait.ge @!p0 [sflag:s8], $0x0  }
0x24: {  	s3 =	sadd.s32 $0x88, s3;
	s6 =	simm.s32 @!p1 $0x1082;
	[sflag:s4] =	ssyncset.s32 $0xFFFFF086  }
0x25: {  	[simem:s6], [sflag:s4] =	dma.local [hbm:s3], $0xF7A  }
0x26: {  	[smem:$0x3F9F] =	sst s1;
	(tag) =	ssettag s2;
	_ =	strace s9  }
0x27: {  	s1 =	sld [smem:$0x3FAF]  }
0x28: {  	s2 =	sld [smem:$0x3FB0]  }
0x29: {  	s4 =	sld [smem:$0x3FB2]  }
0x2a: {  	p0 =	seq.s32 s5, $0x0;
	s5 =	sld [smem:$0x3FB3]  }
0x2b: {  	s6 =	sld [smem:$0x3FB4]  }
0x2c: {  	s7 =	sld [smem:$0x3FB5]  }
0x2d: {  	s3 =	simm.s32 $0x108;
	s8 =	sld [smem:$0x3FB6]  }
0x2e: {  	s3 =	simm.s32 @!p0 $0x1082;
	s9 =	sld [smem:$0x3FB7]  }
0x2f: {  	lr =	sadd.s32 s0, s3;
	s0 =	sld [smem:$0x3FAE]  }
0x30: {  	s3 =	sld [smem:$0x3FB1]  }
0x31: {  	[smem:$0x3FBA] =	sst s10  }
0x32: {  	s10 =	sld [smem:$0x3FB8];
	_ =	sdelay $0x3  }
0x33: {  	p0 =	seq.s32 s10, $0x1;
	s10 =	sld [smem:$0x3FBA];
	_ =	sdelay $0x3  }
0x34: {  	[smem:$0x3FBA] =	sst s10  }
0x35: {  	s10 =	sld [smem:$0x3FB9];
	_ =	sdelay $0x3  }
0x36: {  	p1 =	seq.s32 s10, $0x1;
	s10 =	sld [smem:$0x3FBA];
	_ =	sdelay $0x3  }
0x37: {  	[smem:$0x3FBA] =	sst s10  }
0x38: {  	s10 =	sld [smem:$0x3FBB]  }
0x39: {  	_ = 	snop;
	(pc) =	sbr.ind lr, $3  }
0x3a: {  	_ = 	snop  }
0x3b: {  	_ = 	snop  }
0x3c: {  	p2 =	seq.s32 s10, $0x1;
	s10 =	sld [smem:$0x3FBA]  }
0x3d: {  	_ =	shalt  }
0x3e: {  	_ =	shalt  }
0x3f: {  	_ =	shalt  }
0x40: {  	_ =	shalt  }
0x41: {  	_ =	shalt  }
0x42: {  	_ =	shalt  }
0x43: {  	_ =	shalt  }
0x44: {  	_ =	shalt  }
0x45: {  	_ =	shalt  }
0x46: {  	_ =	shalt  }
0x47: {  	_ =	shalt  }
0x48: {  	_ =	shalt  }
0x49: {  	_ =	shalt  }
0x4a: {  	_ =	shalt  }
0x4b: {  	_ =	shalt  }
0x4c: {  	_ =	shalt  }
0x4d: {  	_ =	shalt  }
0x4e: {  	_ =	shalt  }
0x4f: {  	_ =	shalt  }
0x50: {  	_ =	shalt  }
0x51: {  	_ =	shalt  }
0x52: {  	_ =	shalt  }
0x53: {  	_ =	shalt  }
0x54: {  	_ =	shalt  }
0x55: {  	_ =	shalt  }
0x56: {  	_ =	shalt  }
0x57: {  	_ =	shalt  }
0x58: {  	_ =	shalt  }
0x59: {  	_ =	shalt  }
0x5a: {  	_ =	shalt  }
0x5b: {  	_ =	shalt  }
0x5c: {  	_ =	shalt  }
0x5d: {  	_ =	shalt  }
0x5e: {  	_ =	shalt  }
0x5f: {  	_ =	shalt  }
0x60: {  	_ =	shalt  }
0x61: {  	_ =	shalt  }
0x62: {  	_ =	shalt  }
0x63: {  	_ =	shalt  }
0x64: {  	_ =	shalt  }
0x65: {  	_ =	shalt  }
0x66: {  	_ =	shalt  }
0x67: {  	_ =	shalt  }
0x68: {  	_ =	shalt  }
0x69: {  	_ =	shalt  }
0x6a: {  	_ =	shalt  }
0x6b: {  	_ =	shalt  }
0x6c: {  	_ =	shalt  }
0x6d: {  	_ =	shalt  }
0x6e: {  	_ =	shalt  }
0x6f: {  	_ =	shalt  }
0x70: {  	_ =	shalt  }
0x71: {  	_ =	shalt  }
0x72: {  	_ =	shalt  }
0x73: {  	_ =	shalt  }
0x74: {  	_ =	shalt  }
0x75: {  	_ =	shalt  }
0x76: {  	_ =	shalt  }
0x77: {  	_ =	shalt  }
0x78: {  	_ =	shalt  }
0x79: {  	_ =	shalt  }
0x7a: {  	_ =	shalt  }
0x7b: {  	_ =	shalt  }
0x7c: {  	_ =	shalt  }
0x7d: {  	_ =	shalt  }
0x7e: {  	_ =	shalt  }
0x7f: {  	_ =	shalt  }
0x80: {  	_ =	shalt  }
0x81: {  	_ =	shalt  }
0x82: {  	_ =	shalt  }
0x83: {  	_ =	shalt  }
0x84: {  	_ =	shalt  }
0x85: {  	_ =	shalt  }
0x86: {  	_ =	shalt  }
0x87: {  	_ =	shalt  }
.Lfunc_end0:
.L_simem_size_0:
called_computation.1_lowered:
.L_overlay_start_0:
0x88: {  	s2 =	sld [smem:$0x3FD9]  }
0x89: {  	s3 =	sld [smem:$0x3FFE];
	_ =	sdelay $0x1  }
0x8a: {  	s1 =	srdreg.scid  }
0x8b: {  	s0 =	sand.u32 $0x1, s1  }
0x8c: {  	s17 =	sshll.u32 s0, $0xA;
	s2 =	sadd.s32 s3, s2  }
0x8d: {  	s2 =	sadd.s32 s2, s17  }
0x8e: {  	[smem:$0x3FC6] =	sst s2  }
0x8f: {  	_ = 	snop  }
0x90: {  	s2 =	sld [smem:$0x3FD0];
	(tm) =	ssettm $0x1  }
0x91: {  	s18 =	sld [smem:$0x3FFB];
	_ =	sdelay $0x3  }
0x92: {  	_ =	strace s18  }
0x93: {  	s3 =	sld [smem:$0x3FFC];
	_ =	sdelay $0x3  }
0x94: {  	_ =	strace s3  }
0x95: {  	s3 =	sld [smem:$0x3FFD];
	_ =	sdelay $0x3  }
0x96: {  	_ =	strace s3  }
0x97: {  	_ =	strace $0x8FFFFFFF  }
0x98: {  	s19 =	sld [smem:$0x3FDB];
	_ =	sdelay $0x1  }
0x99: {  	s4 =	simm.s32 $_scs_section_size  }
0x9a: {  	s5 =	simm.s32 $_size__tile_overlayer_lowered;
	s6 =	simm.s32 $_tile_overlayer_lowered  }
0x9b: {  	s22 =	simm.s32 $0x1BFF;
	s21 =	sshll.u32 s6, $0x1;
	s3 =	sadd.s32 s4, s19  }
0x9c: {  	s7 =	simm.s32 $0x0;
	s20 =	sshll.u32 s5, $0x1;
	s5 =	sadd.s32 s21, s3  }
0x9d: {  	[timem:s7], [sflag:s22] =	dma.local [hbm:s5], s20  }
0x9e: {  	_ =	swait.ge [sflag:s22], s20  }
0x9f: {  	s4 =	ssub.s32 $0x0, s20;
	[sflag:s22] =	ssyncset.done $0x0  }
0xa0: {  	[sflag:s22] =	ssyncadd.s32 s4;
	_ =	sdelay $0x1  }
0xa1: {  	s23 =	simm.s32 $0x1B8B  }
0xa2: {  	_ =	swait.ge [sflag:s23], $0x1  }
0xa3: {  	[sflag:s23] =	ssyncset.done $0x0  }
0xa4: {  	s25 =	simm.s32 $0x1B8E;
	s24 =	sld [smem:$0x3FFE];
	[sflag:s23] =	ssyncadd.s32 $0xFFFFFFFF  }
0xa5: {  	s26 =	simm.s32 $execute0_lowered;
	[smem:$0x3FD2] =	sst s25  }
0xa6: {  	s5 =	sshll.u32 s26, $0x1;
	_ =	strace $0x80000046;
	[dreg:$0x1] =	wrdreg $0xFFFFFFFF  }
0xa7: {  	s28 =	simm.s32 $_size_execute0_lowered;
	s3 =	sadd.s32 s3, s5;
	[dreg:$0x0] =	wrdreg $0x0  }
0xa8: {  	s5 =	sshll.u32 s28, $0x1;
	[dreg:$0x2] =	wrdreg s3  }
0xa9: {  	[dreg:$0x3] =	wrdreg s5  }
0xaa: {  	[dreg:$0x4] =	wrdreg $0xC0  }
0xab: {  	_ =	task [dreg:s7], $0x5FFFF  }
0xac: {  	[dreg:$0x1] =	wrdreg $0xFFFFFFFF  }
0xad: {  	[dreg:$0x0] =	wrdreg $0x60  }
0xae: {  	[dreg:$0x2] =	wrdreg s2  }
0xaf: {  	[dreg:$0x3] =	wrdreg s24  }
0xb0: {  	[dreg:$0x4] =	wrdreg $0x128000  }
0xb1: {  	[dreg:$0x5] =	wrdreg $0x9  }
0xb2: {  	_ =	task.clear_ibuf [dreg:s7], $0x6FFFF;
	_ =	strace $0x90000046  }
0xb3: {  	s29 =	simm.s32 $0x9;
	_ =	strace $0x80000048  }
0xb4: {  	_ =	swait.ge [sflag:s29], $0x1  }
0xb5: {  	[sflag:s29] =	ssyncadd.s32 $0xFFFFFFFF  }
0xb6: {  	_ =	strace $0x90000048  }
0xb7: {  	_ =	sfence  }
0xb8: {  	s30 =	sld [smem:$0x0];
	_ =	sdelay $0x2  }
0xb9: {  	s31 =	sshll.u32 s1, $0xD;
	s1 =	sshrl.u32 s1, $0x2  }
0xba: {  	s3 =	sand.u32 $0x4000, s31;
	s1 =	sadd.s32 s1, s30  }
0xbb: {  	s0 =	sor.u32 s3, s0;
	s1 =	sshll.u32 s1, $0x11  }
0xbc: {  	s0 =	sor.u32 s1, s0  }
0xbd: {  	s0 =	sadd.s32 $0x8F2B, s0  }
0xbe: {  	[sflag:s0] =	ssyncadd.remote.s32 $0x1  }
0xbf: {  	_ =	sfence.sel $0xFFFF  }
0xc0: {  	[dreg:$0x0] =	wrdreg $0xFFFFFFFF;
	(pc) =	sbr.abs _section_cstart, $3  }
0xc1: {  	[dreg:$0x1] =	wrdreg $0xFFFFFFFF  }
0xc2: {  	_ =	task.clear_ibuf [dreg:s7], $0x2FFFF;
	_ =	strace $0x9FFFFFFF  }
0xc3: {  	(tm) =	ssettm $0x7FFFFFFF  }
tec
execute0_lowered:
.L_overlay_start_1:
0x0: {  	(tag) =	ssettag $0x1  }
0x1: {  	s1 =	rddreg [dreg:$0x0]  }
0x2: {  	s7 =	rddreg [dreg:$0x1]  }
0x3: {  	s2 =	rddreg [dreg:$0x2]  }
0x4: {  	s0 =	rddreg [dreg:$0x3];
	s3 =	simm.s32 $0x0;
	s4 =	srdreg.scid  }
0x5: {  	s9 =	stileid.u32;
	s11 =	simm.s32 $0x80;
	s12 =	simm.s32 $0x2800  }
0x6: {  	s13 =	simm.s32 $0x6800;
	s14 =	simm.s32 $0x1;
	s15 =	simm.s32 $0xA800  }
0x7: {  	s16 =	simm.s32 $0x2;
	s17 =	simm.s32 $0xE800;
	s18 =	simm.s32 $0x3  }
0x8: {  	s19 =	simm.s32 $0x4;
	s20 =	simm.s32 $0x0;
	[smem:$0x7FF] =	sst s3  }
0x9: {  	s5 =	sand.u32 $0x1, s4;
	s8 =	sshll.u32 s9, $0x1;
	s4 =	sadd.s32 $0x800, s7  }
0xa: {  	p0 =	sne.s32 s9, $0x0;
	_ =	strace $0x80000047;
	s6 =	ssub.s32 $0x2, s5  }
0xb: {  	s8 =	sor.u32 s5, s8;
	s5 =	sadd.s32 $0x8800, s7;
	s10 =	sshrl.u32 s6, $0x1  }
0xc: {  	s7 =	sadd.s32 $0x9000, s7;
	s9 =	sshrl.u32 @!p0 s2, $0x3;
	s10 =	ssub.s32 s6, s10  }
0xd: {  	s6 =	smul.u32 $0x320, s8;
	s8 =	smax.u32 s10, $0x1;
	s10 =	simm.s32 $0x5  }
.LBB2_1:
0xe: {  	s21 =	simm.s32 @!p0 $0x1C05  }
0xf: {  	[spmem:s9], [sflag:s21] =	dma.local @!p0 [hbm:s4], $0x8000  }
0x10: {  	s21 =	simm.s32 @!p0 $0x5  }
0x11: {  	_ =	swait.ge @!p0 [sflag:s21], $0x8000  }
0x12: {  	[sflag:s21] =	ssyncset.done @!p0 $0x0  }
0x13: {  	[sflag:s21] =	ssyncadd.s32 @!p0 $0xFFFF8000  }
0x14: {  	s21 =	simm.s32 $0x0;
	[bflag:$0x0] =	sbarrier.arrive $0xFFFF  }
.LBB2_2:
0x15: {  	s22 =	smul.u32 $0x50, s21;
	_ =	sdelay $0x1  }
0x16: {  	s23 =	sadd.s32 s6, s22  }
0x17: {  	s22 =	sshll.u32 s23, $0x4  }
0x18: {  	s24 =	sadd.s32 s1, s22;
	s22 =	simm.s32 $0x0  }
0x19: {  	[tilespmem:s22], [sflag:$0x5] =	stream.linear.gather [hbm4b:s24+s22], $0x2800, $0x38;
	[tilespmem:$0x16800] =	vst v63  }
0x1a: {  	_ =	swait.ge [sflag:s10], $0x2800  }
0x1b: {  	[sflag:s10] =	ssyncset.done $0x0  }
0x1c: {  	s23 =	sshll.u32 s23, $0xB;
	[sflag:s10] =	ssyncadd.s32 $0xFFFFD800  }
.LBB2_3:
0x1d: {  	p1 =	seq.s32 s22, $0x0  }
0x1e: {  	s24 =	simm.s32 @!p1 $0x3  }
0x1f: {  	_ =	swait.ge @!p1 [sflag:s24], $0x4000  }
0x20: {  	[sflag:s24] =	ssyncset.done @!p1 $0x0  }
0x21: {  	[sflag:s24] =	ssyncadd.s32 @!p1 $0xFFFFC000;
	s24 =	simm.s32 @!p1 $0x4  }
0x22: {  	_ =	swait.ge @!p1 [sflag:s24], $0x4000  }
0x23: {  	s25 =	sshll.u32 s22, $0x8;
	[sflag:s24] =	ssyncset.done @!p1 $0x0  }
0x24: {  	s31 =	sand.u32 $0x3FFFFF00, s25;
	[sflag:s24] =	ssyncadd.s32 @!p1 $0xFFFFC000  }
0x25: {  	[tilespmem:s12], [sflag:$0x1] =	stream.indirect.gather [spmem:s2], $0x80, s31, s11, $0xb8;
	[tilespmem:$0x16800] =	vst v63  }
0x26: {  	s24 =	sor.u32 $0x80, s31  }
0x27: {  	[tilespmem:s13], [sflag:$0x2] =	stream.indirect.gather [spmem:s2], $0x80, s24, s11, $0xb8;
	[tilespmem:$0x16800] =	vst v63  }
0x28: {  	_ =	swait.ge [sflag:s14], $0x4000  }
0x29: {  	[sflag:s14] =	ssyncset.done $0x0  }
0x2a: {  	s24 =	simm.s32 $0x0;
	[sflag:s14] =	ssyncadd.s32 $0xFFFFC000  }
0x2b: {  	v0 =	vld [tilespmem:s24+$0x2BB0]  }
0x2c: {  	v1 =	vld [tilespmem:s24+$0x2800]  }
0x2d: {  	v2 =	vld [tilespmem:s24+$0x2810]  }
0x2e: {  	v3 =	vld [tilespmem:s24+$0x2820]  }
0x2f: {  	v4 =	vld [tilespmem:s24+$0x2830]  }
0x30: {  	v5 =	vld [tilespmem:s24+$0x2880];
	[tilespmem:s24+$0xABB0] =	vst v0  }
0x31: {  	[tilespmem:s24+$0xA800] =	vst v1;
	v0 =	vld [tilespmem:s24+$0x2890]  }
0x32: {  	[tilespmem:s24+$0xA810] =	vst v2;
	v1 =	vld [tilespmem:s24+$0x28A0]  }
0x33: {  	[tilespmem:s24+$0xA820] =	vst v3;
	v2 =	vld [tilespmem:s24+$0x28B0]  }
0x34: {  	[tilespmem:s24+$0xA830] =	vst v4;
	v3 =	vld [tilespmem:s24+$0x2900]  }
0x35: {  	[tilespmem:s24+$0xA880] =	vst v5;
	v4 =	vld [tilespmem:s24+$0x2910]  }
0x36: {  	v5 =	vld [tilespmem:s24+$0x2B10];
	[tilespmem:s24+$0xA890] =	vst v0  }
0x37: {  	v0 =	vld [tilespmem:s24+$0x2920];
	[tilespmem:s24+$0xA8A0] =	vst v1  }
0x38: {  	v1 =	vld [tilespmem:s24+$0x2930];
	[tilespmem:s24+$0xA8B0] =	vst v2  }
0x39: {  	v2 =	vld [tilespmem:s24+$0x2980];
	[tilespmem:s24+$0xA900] =	vst v3  }
0x3a: {  	v3 =	vld [tilespmem:s24+$0x2990];
	[tilespmem:s24+$0xA910] =	vst v4  }
0x3b: {  	v4 =	vld [tilespmem:s24+$0x29A0];
	[tilespmem:s24+$0xAB10] =	vst v5  }
0x3c: {  	[tilespmem:s24+$0xA920] =	vst v0;
	v0 =	vld [tilespmem:s24+$0x29B0]  }
0x3d: {  	[tilespmem:s24+$0xA930] =	vst v1;
	v1 =	vld [tilespmem:s24+$0x2A00]  }
0x3e: {  	[tilespmem:s24+$0xA980] =	vst v2;
	v2 =	vld [tilespmem:s24+$0x2A10]  }
0x3f: {  	[tilespmem:s24+$0xA990] =	vst v3;
	v3 =	vld [tilespmem:s24+$0x2A20]  }
0x40: {  	[tilespmem:s24+$0xA9A0] =	vst v4;
	v4 =	vld [tilespmem:s24+$0x2A30]  }
0x41: {  	[tilespmem:s24+$0xA9B0] =	vst v0;
	v0 =	vld [tilespmem:s24+$0x2A80]  }
0x42: {  	[tilespmem:s24+$0xAA00] =	vst v1;
	v1 =	vld [tilespmem:s24+$0x2A90]  }
0x43: {  	[tilespmem:s24+$0xAA10] =	vst v2;
	v2 =	vld [tilespmem:s24+$0x2AA0]  }
0x44: {  	[tilespmem:s24+$0xAA20] =	vst v3;
	v3 =	vld [tilespmem:s24+$0x2AB0]  }
0x45: {  	[tilespmem:s24+$0xAA30] =	vst v4;
	v4 =	vld [tilespmem:s24+$0x2B00]  }
0x46: {  	[tilespmem:s24+$0xAA80] =	vst v0;
	v0 =	vld [tilespmem:s24+$0x2B20]  }
0x47: {  	[tilespmem:s24+$0xAA90] =	vst v1;
	v1 =	vld [tilespmem:s24+$0x2B30]  }
0x48: {  	[tilespmem:s24+$0xAAA0] =	vst v2;
	v2 =	vld [tilespmem:s24+$0x2B80]  }
0x49: {  	[tilespmem:s24+$0xAAB0] =	vst v3;
	v3 =	vld [tilespmem:s24+$0x2B90]  }
0x4a: {  	s26 =	simm.s32 $0x400;
	s25 =	simm.s32 $0x2000;
	[tilespmem:s24+$0xAB00] =	vst v4;
	v4 =	vld [tilespmem:s24+$0x2BA0]  }
.LBB2_4:
0x4b: {  	p1 =	sne.s32 s25, $0xF000;
	v5 =	vld [tilespmem:s26+$0x2BB0];
	[tilespmem:s24+$0xAB20] =	vst v0  }
0x4c: {  	v0 =	vld [tilespmem:s26+$0x2800];
	[tilespmem:s24+$0xAB30] =	vst v1  }
0x4d: {  	v1 =	vld [tilespmem:s26+$0x2810];
	[tilespmem:s24+$0xAB80] =	vst v2  }
0x4e: {  	v2 =	vld [tilespmem:s26+$0x2820];
	[tilespmem:s24+$0xAB90] =	vst v3  }
0x4f: {  	v3 =	vld [tilespmem:s26+$0x2830];
	[tilespmem:s24+$0xABA0] =	vst v4;
	s24 =	smov.u32 s26  }
0x50: {  	v4 =	vld [tilespmem:s24+$0x2880];
	[tilespmem:s24+$0xABB0] =	vst v5  }
0x51: {  	[tilespmem:s24+$0xA800] =	vst v0;
	v0 =	vld [tilespmem:s24+$0x2890]  }
0x52: {  	[tilespmem:s24+$0xA810] =	vst v1;
	v1 =	vld [tilespmem:s24+$0x28A0]  }
0x53: {  	[tilespmem:s24+$0xA820] =	vst v2;
	v2 =	vld [tilespmem:s24+$0x28B0]  }
0x54: {  	[tilespmem:s24+$0xA830] =	vst v3;
	v3 =	vld [tilespmem:s24+$0x2900]  }
0x55: {  	[tilespmem:s24+$0xA880] =	vst v4;
	v4 =	vld [tilespmem:s24+$0x2910]  }
0x56: {  	[tilespmem:s24+$0xA890] =	vst v0;
	v0 =	vld [tilespmem:s24+$0x2920]  }
0x57: {  	[tilespmem:s24+$0xA8A0] =	vst v1;
	v1 =	vld [tilespmem:s24+$0x2930]  }
0x58: {  	[tilespmem:s24+$0xA8B0] =	vst v2;
	v2 =	vld [tilespmem:s24+$0x2980]  }
0x59: {  	[tilespmem:s24+$0xA900] =	vst v3;
	v3 =	vld [tilespmem:s24+$0x2990]  }
0x5a: {  	[tilespmem:s24+$0xA910] =	vst v4;
	v4 =	vld [tilespmem:s24+$0x29A0]  }
0x5b: {  	[tilespmem:s24+$0xA920] =	vst v0;
	v0 =	vld [tilespmem:s24+$0x29B0]  }
0x5c: {  	[tilespmem:s24+$0xA930] =	vst v1;
	v1 =	vld [tilespmem:s24+$0x2A00]  }
0x5d: {  	[tilespmem:s24+$0xA980] =	vst v2;
	v2 =	vld [tilespmem:s24+$0x2A10]  }
0x5e: {  	[tilespmem:s24+$0xA990] =	vst v3;
	v3 =	vld [tilespmem:s24+$0x2A20]  }
0x5f: {  	[tilespmem:s24+$0xA9A0] =	vst v4;
	v4 =	vld [tilespmem:s24+$0x2A30]  }
0x60: {  	[tilespmem:s24+$0xA9B0] =	vst v0;
	v0 =	vld [tilespmem:s24+$0x2A80]  }
0x61: {  	[tilespmem:s24+$0xAA00] =	vst v1;
	v1 =	vld [tilespmem:s24+$0x2A90]  }
0x62: {  	[tilespmem:s24+$0xAA10] =	vst v2;
	v2 =	vld [tilespmem:s24+$0x2AA0]  }
0x63: {  	[tilespmem:s24+$0xAA20] =	vst v3;
	v3 =	vld [tilespmem:s24+$0x2AB0]  }
0x64: {  	[tilespmem:s24+$0xAA30] =	vst v4;
	v4 =	vld [tilespmem:s24+$0x2B00]  }
0x65: {  	[tilespmem:s24+$0xAA80] =	vst v0;
	v5 =	vld [tilespmem:s24+$0x2B10]  }
.Ltmp0:
0x66: {  	[tilespmem:s24+$0xAA90] =	vst v1;
	v0 =	vld [tilespmem:s24+$0x2B20];
	(pc) =	sbr.rel @p1 .LBB2_4-.Ltmp0, $4  }
0x67: {  	[tilespmem:s24+$0xAAA0] =	vst v2;
	v1 =	vld [tilespmem:s24+$0x2B30]  }
0x68: {  	[tilespmem:s24+$0xAAB0] =	vst v3;
	v2 =	vld [tilespmem:s24+$0x2B80]  }
0x69: {  	[tilespmem:s24+$0xAB00] =	vst v4;
	v3 =	vld [tilespmem:s24+$0x2B90]  }
0x6a: {  	s26 =	sshra.s32 s25, $0x2;
	s25 =	sadd.s32 $0x1000, s25;
	[tilespmem:s24+$0xAB10] =	vst v5;
	v4 =	vld [tilespmem:s24+$0x2BA0]  }
0x6b: {  	v5 =	vld [tilespmem:s26+$0x2BB0];
	[tilespmem:s24+$0xAB20] =	vst v0  }
0x6c: {  	v0 =	vld [tilespmem:s26+$0x2800];
	[tilespmem:s24+$0xAB30] =	vst v1  }
0x6d: {  	v1 =	vld [tilespmem:s26+$0x2810];
	[tilespmem:s24+$0xAB80] =	vst v2  }
0x6e: {  	v2 =	vld [tilespmem:s26+$0x2820];
	[tilespmem:s24+$0xAB90] =	vst v3  }
0x6f: {  	v3 =	vld [tilespmem:s26+$0x2830];
	[tilespmem:s24+$0xABA0] =	vst v4  }
0x70: {  	v4 =	vld [tilespmem:s26+$0x2880];
	[tilespmem:s26+$0xABB0] =	vst v5  }
0x71: {  	[tilespmem:s26+$0xA800] =	vst v0;
	v0 =	vld [tilespmem:s26+$0x2890]  }
0x72: {  	[tilespmem:s26+$0xA810] =	vst v1;
	v1 =	vld [tilespmem:s26+$0x28A0]  }
0x73: {  	[tilespmem:s26+$0xA820] =	vst v2;
	v2 =	vld [tilespmem:s26+$0x28B0]  }
0x74: {  	[tilespmem:s26+$0xA830] =	vst v3;
	v3 =	vld [tilespmem:s26+$0x2900]  }
0x75: {  	[tilespmem:s26+$0xA880] =	vst v4;
	v4 =	vld [tilespmem:s26+$0x2910]  }
0x76: {  	[tilespmem:s26+$0xA890] =	vst v0;
	v0 =	vld [tilespmem:s26+$0x2920]  }
0x77: {  	[tilespmem:s26+$0xA8A0] =	vst v1;
	v1 =	vld [tilespmem:s26+$0x2930]  }
0x78: {  	[tilespmem:s26+$0xA8B0] =	vst v2;
	v2 =	vld [tilespmem:s26+$0x2980]  }
0x79: {  	[tilespmem:s26+$0xA900] =	vst v3;
	v3 =	vld [tilespmem:s26+$0x2990]  }
0x7a: {  	[tilespmem:s26+$0xA910] =	vst v4;
	v4 =	vld [tilespmem:s26+$0x29A0]  }
0x7b: {  	[tilespmem:s26+$0xA920] =	vst v0;
	v0 =	vld [tilespmem:s26+$0x29B0]  }
0x7c: {  	[tilespmem:s26+$0xA930] =	vst v1;
	v1 =	vld [tilespmem:s26+$0x2A00]  }
0x7d: {  	[tilespmem:s26+$0xA980] =	vst v2;
	v2 =	vld [tilespmem:s26+$0x2A10]  }
0x7e: {  	[tilespmem:s26+$0xA990] =	vst v3;
	v3 =	vld [tilespmem:s26+$0x2A20]  }
0x7f: {  	[tilespmem:s26+$0xA9A0] =	vst v4;
	v4 =	vld [tilespmem:s26+$0x2A30]  }
0x80: {  	[tilespmem:s26+$0xA9B0] =	vst v0;
	v0 =	vld [tilespmem:s26+$0x2A80]  }
0x81: {  	[tilespmem:s26+$0xAA00] =	vst v1;
	v1 =	vld [tilespmem:s26+$0x2A90]  }
0x82: {  	[tilespmem:s26+$0xAA10] =	vst v2;
	v2 =	vld [tilespmem:s26+$0x2AA0]  }
0x83: {  	[tilespmem:s26+$0xAA20] =	vst v3;
	v3 =	vld [tilespmem:s26+$0x2AB0]  }
0x84: {  	[tilespmem:s26+$0xAA30] =	vst v4;
	v4 =	vld [tilespmem:s26+$0x2B00]  }
0x85: {  	[tilespmem:s26+$0xAA80] =	vst v0;
	v0 =	vld [tilespmem:s26+$0x2B10]  }
0x86: {  	[tilespmem:s26+$0xAA90] =	vst v1;
	v1 =	vld [tilespmem:s26+$0x2B20]  }
0x87: {  	[tilespmem:s26+$0xAAA0] =	vst v2;
	v2 =	vld [tilespmem:s26+$0x2B30]  }
0x88: {  	[tilespmem:s26+$0xAAB0] =	vst v3;
	v3 =	vld [tilespmem:s26+$0x2B80]  }
0x89: {  	[tilespmem:s26+$0xAB00] =	vst v4;
	v4 =	vld [tilespmem:s26+$0x2B90]  }
0x8a: {  	[tilespmem:s26+$0xAB10] =	vst v0;
	v0 =	vld [tilespmem:s26+$0x2BA0]  }
0x8b: {  	[tilespmem:s26+$0xAB20] =	vst v1  }
0x8c: {  	[tilespmem:s26+$0xAB30] =	vst v2  }
0x8d: {  	s30 =	sshll.u32 s22, $0xC;
	[tilespmem:s26+$0xAB80] =	vst v3  }
0x8e: {  	s24 =	sadd.s32 s23, s30;
	[tilespmem:s26+$0xAB90] =	vst v4  }
0x8f: {  	s31 =	simm.s32 $0x0;
	s25 =	sadd.s32 s5, s24;
	[tilespmem:s26+$0xABA0] =	vst v0  }
0x90: {  	[hbm4b:s25+s31] =	stream.linear.scatter [tilespmem:s15], [sflag:$0x3], $0x4000, $0x38;
	[tilespmem:$0x16800] =	vst v63  }
0x91: {  	_ =	swait.ge [sflag:s16], $0x4000  }
0x92: {  	[sflag:s16] =	ssyncset.done $0x0  }
0x93: {  	s25 =	simm.s32 $0x0;
	[sflag:s16] =	ssyncadd.s32 $0xFFFFC000  }
0x94: {  	v0 =	vld [tilespmem:s25+$0x6BB0]  }
0x95: {  	v1 =	vld [tilespmem:s25+$0x6800]  }
0x96: {  	v2 =	vld [tilespmem:s25+$0x6810]  }
0x97: {  	v3 =	vld [tilespmem:s25+$0x6820]  }
0x98: {  	v4 =	vld [tilespmem:s25+$0x6830]  }
0x99: {  	v5 =	vld [tilespmem:s25+$0x6880];
	[tilespmem:s25+$0xEBB0] =	vst v0  }
0x9a: {  	[tilespmem:s25+$0xE800] =	vst v1;
	v0 =	vld [tilespmem:s25+$0x6890]  }
0x9b: {  	[tilespmem:s25+$0xE810] =	vst v2;
	v1 =	vld [tilespmem:s25+$0x68A0]  }
0x9c: {  	[tilespmem:s25+$0xE820] =	vst v3;
	v2 =	vld [tilespmem:s25+$0x68B0]  }
0x9d: {  	[tilespmem:s25+$0xE830] =	vst v4;
	v3 =	vld [tilespmem:s25+$0x6900]  }
0x9e: {  	[tilespmem:s25+$0xE880] =	vst v5;
	v4 =	vld [tilespmem:s25+$0x6910]  }
0x9f: {  	v5 =	vld [tilespmem:s25+$0x6B10];
	[tilespmem:s25+$0xE890] =	vst v0  }
0xa0: {  	v0 =	vld [tilespmem:s25+$0x6920];
	[tilespmem:s25+$0xE8A0] =	vst v1  }
0xa1: {  	v1 =	vld [tilespmem:s25+$0x6930];
	[tilespmem:s25+$0xE8B0] =	vst v2  }
0xa2: {  	v2 =	vld [tilespmem:s25+$0x6980];
	[tilespmem:s25+$0xE900] =	vst v3  }
0xa3: {  	v3 =	vld [tilespmem:s25+$0x6990];
	[tilespmem:s25+$0xE910] =	vst v4  }
0xa4: {  	v4 =	vld [tilespmem:s25+$0x69A0];
	[tilespmem:s25+$0xEB10] =	vst v5  }
0xa5: {  	[tilespmem:s25+$0xE920] =	vst v0;
	v0 =	vld [tilespmem:s25+$0x69B0]  }
0xa6: {  	[tilespmem:s25+$0xE930] =	vst v1;
	v1 =	vld [tilespmem:s25+$0x6A00]  }
0xa7: {  	[tilespmem:s25+$0xE980] =	vst v2;
	v2 =	vld [tilespmem:s25+$0x6A10]  }
0xa8: {  	[tilespmem:s25+$0xE990] =	vst v3;
	v3 =	vld [tilespmem:s25+$0x6A20]  }
0xa9: {  	[tilespmem:s25+$0xE9A0] =	vst v4;
	v4 =	vld [tilespmem:s25+$0x6A30]  }
0xaa: {  	[tilespmem:s25+$0xE9B0] =	vst v0;
	v0 =	vld [tilespmem:s25+$0x6A80]  }
0xab: {  	[tilespmem:s25+$0xEA00] =	vst v1;
	v1 =	vld [tilespmem:s25+$0x6A90]  }
0xac: {  	[tilespmem:s25+$0xEA10] =	vst v2;
	v2 =	vld [tilespmem:s25+$0x6AA0]  }
0xad: {  	[tilespmem:s25+$0xEA20] =	vst v3;
	v3 =	vld [tilespmem:s25+$0x6AB0]  }
0xae: {  	[tilespmem:s25+$0xEA30] =	vst v4;
	v4 =	vld [tilespmem:s25+$0x6B00]  }
0xaf: {  	[tilespmem:s25+$0xEA80] =	vst v0;
	v0 =	vld [tilespmem:s25+$0x6B20]  }
0xb0: {  	[tilespmem:s25+$0xEA90] =	vst v1;
	v1 =	vld [tilespmem:s25+$0x6B30]  }
0xb1: {  	[tilespmem:s25+$0xEAA0] =	vst v2;
	v2 =	vld [tilespmem:s25+$0x6B80]  }
0xb2: {  	[tilespmem:s25+$0xEAB0] =	vst v3;
	v3 =	vld [tilespmem:s25+$0x6B90]  }
0xb3: {  	s28 =	simm.s32 $0x400;
	s26 =	simm.s32 $0x2000;
	[tilespmem:s25+$0xEB00] =	vst v4;
	v4 =	vld [tilespmem:s25+$0x6BA0]  }
.LBB2_6:
0xb4: {  	p1 =	sne.s32 s26, $0xF000;
	v5 =	vld [tilespmem:s28+$0x6BB0];
	[tilespmem:s25+$0xEB20] =	vst v0  }
0xb5: {  	v0 =	vld [tilespmem:s28+$0x6800];
	[tilespmem:s25+$0xEB30] =	vst v1  }
0xb6: {  	v1 =	vld [tilespmem:s28+$0x6810];
	[tilespmem:s25+$0xEB80] =	vst v2  }
0xb7: {  	v2 =	vld [tilespmem:s28+$0x6820];
	[tilespmem:s25+$0xEB90] =	vst v3  }
0xb8: {  	v3 =	vld [tilespmem:s28+$0x6830];
	[tilespmem:s25+$0xEBA0] =	vst v4;
	s25 =	smov.u32 s28  }
0xb9: {  	v4 =	vld [tilespmem:s25+$0x6880];
	[tilespmem:s25+$0xEBB0] =	vst v5  }
0xba: {  	[tilespmem:s25+$0xE800] =	vst v0;
	v0 =	vld [tilespmem:s25+$0x6890]  }
0xbb: {  	[tilespmem:s25+$0xE810] =	vst v1;
	v1 =	vld [tilespmem:s25+$0x68A0]  }
0xbc: {  	[tilespmem:s25+$0xE820] =	vst v2;
	v2 =	vld [tilespmem:s25+$0x68B0]  }
0xbd: {  	[tilespmem:s25+$0xE830] =	vst v3;
	v3 =	vld [tilespmem:s25+$0x6900]  }
0xbe: {  	[tilespmem:s25+$0xE880] =	vst v4;
	v4 =	vld [tilespmem:s25+$0x6910]  }
0xbf: {  	[tilespmem:s25+$0xE890] =	vst v0;
	v0 =	vld [tilespmem:s25+$0x6920]  }
0xc0: {  	[tilespmem:s25+$0xE8A0] =	vst v1;
	v1 =	vld [tilespmem:s25+$0x6930]  }
0xc1: {  	[tilespmem:s25+$0xE8B0] =	vst v2;
	v2 =	vld [tilespmem:s25+$0x6980]  }
0xc2: {  	[tilespmem:s25+$0xE900] =	vst v3;
	v3 =	vld [tilespmem:s25+$0x6990]  }
0xc3: {  	[tilespmem:s25+$0xE910] =	vst v4;
	v4 =	vld [tilespmem:s25+$0x69A0]  }
0xc4: {  	[tilespmem:s25+$0xE920] =	vst v0;
	v0 =	vld [tilespmem:s25+$0x69B0]  }
0xc5: {  	[tilespmem:s25+$0xE930] =	vst v1;
	v1 =	vld [tilespmem:s25+$0x6A00]  }
0xc6: {  	[tilespmem:s25+$0xE980] =	vst v2;
	v2 =	vld [tilespmem:s25+$0x6A10]  }
0xc7: {  	[tilespmem:s25+$0xE990] =	vst v3;
	v3 =	vld [tilespmem:s25+$0x6A20]  }
0xc8: {  	[tilespmem:s25+$0xE9A0] =	vst v4;
	v4 =	vld [tilespmem:s25+$0x6A30]  }
0xc9: {  	[tilespmem:s25+$0xE9B0] =	vst v0;
	v0 =	vld [tilespmem:s25+$0x6A80]  }
0xca: {  	[tilespmem:s25+$0xEA00] =	vst v1;
	v1 =	vld [tilespmem:s25+$0x6A90]  }
0xcb: {  	[tilespmem:s25+$0xEA10] =	vst v2;
	v2 =	vld [tilespmem:s25+$0x6AA0]  }
0xcc: {  	[tilespmem:s25+$0xEA20] =	vst v3;
	v3 =	vld [tilespmem:s25+$0x6AB0]  }
0xcd: {  	[tilespmem:s25+$0xEA30] =	vst v4;
	v4 =	vld [tilespmem:s25+$0x6B00]  }
0xce: {  	[tilespmem:s25+$0xEA80] =	vst v0;
	v5 =	vld [tilespmem:s25+$0x6B10]  }
.Ltmp1:
0xcf: {  	[tilespmem:s25+$0xEA90] =	vst v1;
	v0 =	vld [tilespmem:s25+$0x6B20];
	(pc) =	sbr.rel @p1 .LBB2_6-.Ltmp1, $4  }
0xd0: {  	[tilespmem:s25+$0xEAA0] =	vst v2;
	v1 =	vld [tilespmem:s25+$0x6B30]  }
0xd1: {  	[tilespmem:s25+$0xEAB0] =	vst v3;
	v2 =	vld [tilespmem:s25+$0x6B80]  }
0xd2: {  	[tilespmem:s25+$0xEB00] =	vst v4;
	v3 =	vld [tilespmem:s25+$0x6B90]  }
0xd3: {  	s28 =	sshra.s32 s26, $0x2;
	s26 =	sadd.s32 $0x1000, s26;
	[tilespmem:s25+$0xEB10] =	vst v5;
	v4 =	vld [tilespmem:s25+$0x6BA0]  }
0xd4: {  	v5 =	vld [tilespmem:s28+$0x6BB0];
	[tilespmem:s25+$0xEB20] =	vst v0  }
0xd5: {  	v0 =	vld [tilespmem:s28+$0x6800];
	[tilespmem:s25+$0xEB30] =	vst v1  }
0xd6: {  	v1 =	vld [tilespmem:s28+$0x6810];
	[tilespmem:s25+$0xEB80] =	vst v2  }
0xd7: {  	v2 =	vld [tilespmem:s28+$0x6820];
	[tilespmem:s25+$0xEB90] =	vst v3  }
0xd8: {  	v3 =	vld [tilespmem:s28+$0x6830];
	[tilespmem:s25+$0xEBA0] =	vst v4  }
0xd9: {  	v4 =	vld [tilespmem:s28+$0x6880];
	[tilespmem:s28+$0xEBB0] =	vst v5  }
0xda: {  	v38 =	vld [tilespmem:s28+$0x6890];
	[tilespmem:s28+$0xE800] =	vst v0  }
0xdb: {  	v39 =	vld [tilespmem:s28+$0x68A0];
	[tilespmem:s28+$0xE810] =	vst v1  }
0xdc: {  	v40 =	vld [tilespmem:s28+$0x68B0];
	[tilespmem:s28+$0xE820] =	vst v2  }
0xdd: {  	v41 =	vld [tilespmem:s28+$0x6900];
	[tilespmem:s28+$0xE830] =	vst v3  }
0xde: {  	v42 =	vld [tilespmem:s28+$0x6910];
	[tilespmem:s28+$0xE880] =	vst v4  }
0xdf: {  	v43 =	vld [tilespmem:s28+$0x6920];
	[tilespmem:s28+$0xE890] =	vst v38  }
0xe0: {  	v44 =	vld [tilespmem:s28+$0x6930];
	[tilespmem:s28+$0xE8A0] =	vst v39  }
0xe1: {  	v45 =	vld [tilespmem:s28+$0x6980];
	[tilespmem:s28+$0xE8B0] =	vst v40  }
0xe2: {  	v46 =	vld [tilespmem:s28+$0x6990];
	[tilespmem:s28+$0xE900] =	vst v41  }
0xe3: {  	v47 =	vld [tilespmem:s28+$0x69A0];
	[tilespmem:s28+$0xE910] =	vst v42  }
0xe4: {  	v48 =	vld [tilespmem:s28+$0x69B0];
	[tilespmem:s28+$0xE920] =	vst v43  }
0xe5: {  	v49 =	vld [tilespmem:s28+$0x6A00];
	[tilespmem:s28+$0xE930] =	vst v44  }
0xe6: {  	v50 =	vld [tilespmem:s28+$0x6A10];
	[tilespmem:s28+$0xE980] =	vst v45  }
0xe7: {  	v51 =	vld [tilespmem:s28+$0x6A20];
	[tilespmem:s28+$0xE990] =	vst v46  }
0xe8: {  	v52 =	vld [tilespmem:s28+$0x6A30];
	[tilespmem:s28+$0xE9A0] =	vst v47  }
0xe9: {  	v53 =	vld [tilespmem:s28+$0x6A80];
	[tilespmem:s28+$0xE9B0] =	vst v48  }
0xea: {  	v54 =	vld [tilespmem:s28+$0x6A90];
	[tilespmem:s28+$0xEA00] =	vst v49  }
0xeb: {  	v55 =	vld [tilespmem:s28+$0x6AA0];
	[tilespmem:s28+$0xEA10] =	vst v50  }
0xec: {  	v56 =	vld [tilespmem:s28+$0x6AB0];
	[tilespmem:s28+$0xEA20] =	vst v51  }
0xed: {  	v57 =	vld [tilespmem:s28+$0x6B00];
	[tilespmem:s28+$0xEA30] =	vst v52  }
0xee: {  	v58 =	vld [tilespmem:s28+$0x6B10];
	[tilespmem:s28+$0xEA80] =	vst v53  }
0xef: {  	v59 =	vld [tilespmem:s28+$0x6B20];
	[tilespmem:s28+$0xEA90] =	vst v54  }
0xf0: {  	v60 =	vld [tilespmem:s28+$0x6B30];
	[tilespmem:s28+$0xEAA0] =	vst v55  }
0xf1: {  	v61 =	vld [tilespmem:s28+$0x6B80];
	[tilespmem:s28+$0xEAB0] =	vst v56  }
0xf2: {  	v62 =	vld [tilespmem:s28+$0x6B90];
	[tilespmem:s28+$0xEB00] =	vst v57  }
0xf3: {  	s22 =	sadd.s32 $0x1, s22;
	v63 =	vld [tilespmem:s28+$0x6BA0];
	[tilespmem:s28+$0xEB10] =	vst v58  }
0xf4: {  	p1 =	sne.s32 s22, $0x28;
	[tilespmem:s28+$0xEB20] =	vst v59  }
.Ltmp2:
0xf5: {  	[tilespmem:s28+$0xEB30] =	vst v60;
	(pc) =	sbr.rel @p1 .LBB2_3-.Ltmp2, $4  }
0xf6: {  	[tilespmem:s28+$0xEB80] =	vst v61  }
0xf7: {  	[tilespmem:s28+$0xEB90] =	vst v62  }
0xf8: {  	s24 =	sadd.s32 s24, s7;
	[tilespmem:s28+$0xEBA0] =	vst v63  }
0xf9: {  	[hbm4b:s24+s3] =	stream.linear.scatter [tilespmem:s17], [sflag:$0x4], $0x4000, $0x38;
	[tilespmem:$0x16800] =	vst v63  }
0xfa: {  	s21 =	sadd.s32 $0x1, s21  }
0xfb: {  	_ =	swait.ge [sflag:s18], $0x4000;
	p1 =	sne.s32 s21, $0xA  }
.Ltmp3:
0xfc: {  	[sflag:s18] =	ssyncset.done $0x0;
	(pc) =	sbr.rel @p1 .LBB2_2-.Ltmp3, $4  }
0xfd: {  	[sflag:s18] =	ssyncadd.s32 $0xFFFFC000  }
0xfe: {  	_ =	swait.ge [sflag:s19], $0x4000  }
0xff: {  	[sflag:s19] =	ssyncset.done $0x0  }
0x100: {  	[sflag:s19] =	ssyncadd.s32 $0xFFFFC000  }
0x101: {  	s20 =	sadd.s32 $0x1, s20  }
0x102: {  	p1 =	sne.s32 s20, s8  }
.Ltmp4:
0x103: {  	_ = 	snop;
	(pc) =	sbr.rel @p1 .LBB2_1-.Ltmp4, $1  }
0x104: {  	_ =	sdelay $0x3  }
0x105: {  	_ =	sfence.sel $0x180000  }
0x106: {  	[bflag:$0x0] =	sbarrier.arrive $0xFFFF  }
0x107: {  	_ =	strace $0x90000047  }
0x108: {  	s0 =	sadd.s32 @!p0 $0x100000, s0;
	[bflag:$0x2] =	sbarrier.arrive $0xFFFF  }
0x109: {  	[sflag:s0] =	ssyncadd.tile.s32 @!p0 $0x1;
	_ =	shalt  }
.Lfunc_end2:
_tile_overlayer_lowered:
.L_overlay_start_2:
0x10a: {  	(tag) =	ssettag $0x2  }
0x10b: {  	s0 =	rddreg [dreg:$0x0];
	s2 =	stileid.u32  }
0x10c: {  	s1 =	rddreg [dreg:$0x1];
	p0 =	sne.s32 s2, $0x0  }
0x10d: {  	s3 =	rddreg [dreg:$0x2];
	[bflag:$0x3] =	sbarrier.arrive $0xFFFF;
	s2 =	simm.s32 @!p0 $0x1C05  }
0x10e: {  	[timem:s3], [sflag:s2] =	dma.local @!p0 [hbm:s0], s1  }
0x10f: {  	s0 =	simm.s32 @!p0 $0x5  }
0x110: {  	_ =	swait.ge @!p0 [sflag:s0], s1  }
0x111: {  	s1 =	ssub.s32 @!p0 $0x0, s1;
	[sflag:s0] =	ssyncset.done @!p0 $0x0  }
0x112: {  	[sflag:s0] =	ssyncadd.s32 @!p0 s1  }
0x113: {  	[bflag:$0x3] =	sbarrier.arrive $0xFFFF  }
0x114: {  	_ =	shalt  }

// kernel: sparse-core-data-format-call.cloned.1.call-start
scs
called_computation_lowered:
.L_overlay_start_0:
0x0: {  	s2 =	sld [smem:$0x3FD9]  }
0x1: {  	s3 =	sld [smem:$0x3FFE];
	_ =	sdelay $0x1  }
0x2: {  	s1 =	srdreg.scid  }
0x3: {  	s0 =	sand.u32 $0x1, s1  }
0x4: {  	s18 =	sshll.u32 s0, $0xA;
	s2 =	sadd.s32 s3, s2  }
0x5: {  	s2 =	sadd.s32 s2, s18  }
0x6: {  	[smem:$0x3FC6] =	sst s2  }
0x7: {  	_ = 	snop  }
0x8: {  	s2 =	sld [smem:$0x3FD0];
	(tm) =	ssettm $0x1  }
0x9: {  	s19 =	sld [smem:$0x3FFB];
	_ =	sdelay $0x3  }
0xa: {  	_ =	strace s19  }
0xb: {  	s3 =	sld [smem:$0x3FFC];
	_ =	sdelay $0x3  }
0xc: {  	_ =	strace s3  }
0xd: {  	s3 =	sld [smem:$0x3FFD];
	_ =	sdelay $0x3  }
0xe: {  	_ =	strace s3  }
0xf: {  	_ =	strace $0x8FFFFFFF  }
0x10: {  	s20 =	sld [smem:$0x3FDB];
	_ =	sdelay $0x1  }
0x11: {  	s4 =	simm.s32 $_scs_section_size  }
0x12: {  	s5 =	simm.s32 $_size__tile_overlayer_lowered;
	s6 =	simm.s32 $_tile_overlayer_lowered  }
0x13: {  	s23 =	simm.s32 $0x1BFF;
	s22 =	sshll.u32 s6, $0x1;
	s3 =	sadd.s32 s4, s20  }
0x14: {  	s7 =	simm.s32 $0x0;
	s21 =	sshll.u32 s5, $0x1;
	s5 =	sadd.s32 s22, s3  }
0x15: {  	[timem:s7], [sflag:s23] =	dma.local [hbm:s5], s21  }
0x16: {  	_ =	swait.ge [sflag:s23], s21  }
0x17: {  	s4 =	ssub.s32 $0x0, s21;
	[sflag:s23] =	ssyncset.done $0x0  }
0x18: {  	[sflag:s23] =	ssyncadd.s32 s4;
	_ =	sdelay $0x1  }
0x19: {  	s24 =	simm.s32 $0x1B8B  }
0x1a: {  	_ =	swait.ge [sflag:s24], $0x1  }
0x1b: {  	[sflag:s24] =	ssyncset.done $0x0  }
0x1c: {  	s26 =	simm.s32 $0x1B8E;
	s25 =	sld [smem:$0x3FFE];
	[sflag:s24] =	ssyncadd.s32 $0xFFFFFFFF  }
0x1d: {  	s27 =	simm.s32 $execute0_lowered;
	[smem:$0x3FD2] =	sst s26  }
0x1e: {  	s5 =	sshll.u32 s27, $0x1;
	_ =	strace $0x80000049;
	[dreg:$0x1] =	wrdreg $0xFFFFFFFF  }
0x1f: {  	s28 =	simm.s32 $_size_execute0_lowered;
	s3 =	sadd.s32 s3, s5;
	[dreg:$0x0] =	wrdreg $0x0  }
0x20: {  	s5 =	sshll.u32 s28, $0x1;
	[dreg:$0x2] =	wrdreg s3  }
0x21: {  	[dreg:$0x3] =	wrdreg s5  }
0x22: {  	[dreg:$0x4] =	wrdreg $0xC0  }
0x23: {  	_ =	task [dreg:s7], $0x5FFFF  }
0x24: {  	[dreg:$0x1] =	wrdreg $0xFFFFFFFF  }
0x25: {  	[dreg:$0x0] =	wrdreg $0x60  }
0x26: {  	[dreg:$0x2] =	wrdreg s25  }
0x27: {  	[dreg:$0x3] =	wrdreg s2  }
0x28: {  	[dreg:$0x4] =	wrdreg $0x9  }
0x29: {  	_ =	task.clear_ibuf [dreg:s7], $0x5FFFF;
	_ =	strace $0x90000049  }
0x2a: {  	s29 =	simm.s32 $0x9;
	_ =	strace $0x8000004B  }
0x2b: {  	_ =	swait.ge [sflag:s29], $0x1  }
0x2c: {  	[sflag:s29] =	ssyncadd.s32 $0xFFFFFFFF  }
0x2d: {  	_ =	strace $0x9000004B  }
0x2e: {  	_ =	sfence  }
0x2f: {  	s30 =	sld [smem:$0x0];
	_ =	sdelay $0x2  }
0x30: {  	s31 =	sshll.u32 s1, $0xD;
	s1 =	sshrl.u32 s1, $0x2  }
0x31: {  	s3 =	sand.u32 $0x4000, s31;
	s1 =	sadd.s32 s1, s30  }
0x32: {  	s0 =	sor.u32 s3, s0;
	s1 =	sshll.u32 s1, $0x11  }
0x33: {  	s0 =	sor.u32 s1, s0  }
0x34: {  	s0 =	sadd.s32 $0x8F2B, s0  }
0x35: {  	[sflag:s0] =	ssyncadd.remote.s32 $0x1  }
0x36: {  	_ =	sfence.sel $0xFFFF  }
0x37: {  	[dreg:$0x0] =	wrdreg $0xFFFFFFFF;
	(pc) =	sbr.abs _section_cstart, $3  }
0x38: {  	[dreg:$0x1] =	wrdreg $0xFFFFFFFF  }
0x39: {  	_ =	task.clear_ibuf [dreg:s7], $0x2FFFF;
	_ =	strace $0x9FFFFFFF  }
0x3a: {  	(tm) =	ssettm $0x7FFFFFFF  }
0x3b: {  	_ =	shalt  }
tec
execute0_lowered:
.L_overlay_start_1:
0x0: {  	(tag) =	ssettag $0x1  }
0x1: {  	s0 =	srdreg.scid  }
0x2: {  	s1 =	sshll.u32 s0, $0x4  }
0x3: {  	s0 =	stileid.u32;
	s1 =	sand.u32 $0x10, s1  }
0x4: {  	s1 =	sor.u32 s0, s1  }
0x5: {  	s6 =	rddreg [dreg:$0x0];
	s4 =	simm.s32 $0x1;
	s2 =	sshll.u32 s1, $0x7  }
0x6: {  	s7 =	simm.s32 $0x2;
	s12 =	simm.s32 $0x0;
	s1 =	ssub.s32 $0x4000, s2  }
0x7: {  	s8 =	simm.s32 $0x20000;
	s13 =	simm.s32 $0x0;
	s3 =	sand.u32 $0xF80, s1  }
0x8: {  	s9 =	simm.s32 $0x0;
	s5 =	sshrl.u32 s1, $0xC;
	p0 =	sne.s32 s3, $0x0  }
.Ltmp0:
0x9: {  	s1 =	rddreg [dreg:$0x2];
	s4 =	simm.s32 @!p0 $0x0;
	(pc) =	sbr.rel .LBB1_1-.Ltmp0, $4  }
0xa: {  	s11 =	simm.s32 $0x0;
	s3 =	rddreg [dreg:$0x1];
	s5 =	sadd.s32 s4, s5  }
0xb: {  	_ =	strace $0x8000004A;
	s4 =	simm.s32 $0x1;
	s5 =	smul.u32 $0xC8, s5  }
0xc: {  	s6 =	sadd.s32 $0x8800, s6;
	s10 =	smov.u32 s2;
	[sflag:s4] =	ssyncpa.u1 $0x0  }
0xd: {  	p0 =	por $0x0, $0x0;
	[sflag:s7] =	ssyncpa.u1 $0x0;
	s7 =	sor.u32 $0x1, s5  }
.LBB1_4:
0xe: {  	s16 =	sshll.u32 s13, $0x3;
	s17 =	sand.u32 $0x78, s13  }
0xf: {  	s30 =	sand.u32 $0x1F800, s13;
	s12 =	sshll.u32 s12, $0x11;
	s16 =	sand.u32 $0x3C00, s16  }
0x10: {  	[tilespmem:s15+$0x810 ss:$0x81] =	vst.msk $0xffff, v2;
	s31 =	sand.u32 $0x7, s13;
	s16 =	sor.u32 s17, s16;
	s17 =	sadd.s32 s3, s30  }
0x11: {  	[tilespmem:s15+$0x1020 ss:$0x81] =	vst.msk $0xffff, v0;
	s13 =	sshll.u32 s31, $0x12;
	s12 =	sadd.s32 s12, s17;
	s16 =	sshrl.u32 s16, $0x3  }
0x12: {  	[tilespmem:s15+$0x0 ss:$0x81] =	vst.msk $0xffff, v1;
	s13 =	sor.u32 $0x400, s13;
	s12 =	sadd.s32 s16, s12  }
0x13: {  	[hbm4b:s12+s13] =	stream.strided.scatter [tilespmem:s14], [sflag:$0x2], $0x2000, s8, s13, $0x20;
	[tilespmem:$0x8080] =	vst v63  }
.LBB1_5:
0x14: {  	s14 =	sadd.s32 $0x1, s9  }
0x15: {  	s12 =	sadd.s32 $0x1000, s10;
	s16 =	smov.u32 s10;
	p2 =	sgt.s32 s14, $0xC7  }
0x16: {  	s16 =	smov.u32 @p2 s12  }
0x17: {  	s14 =	simm.s32 @p2 $0x0;
	p2 =	sgt.s32 s16, $0x3FFF  }
0x18: {  	s16 =	smov.u32 @p2 s2;
	p2 =	sne.s32 s11, s7  }
.Ltmp1:
0x19: {  	p1 =	slt.u32 s11, $0x2;
	(pc) =	sbr.rel @!p2 .LBB1_6-.Ltmp1, $4  }
0x1a: {  	s15 =	simm.s32 @!p1 $0x2  }
0x1b: {  	s13 =	smov.u32 s10;
	p0 =	por !p0, !p0;
	_ =	swait.ge @!p1 [sflag:s15], $0x2000  }
0x1c: {  	s12 =	smov.u32 s9;
	[sflag:s15] =	ssyncset.done @!p1 $0x0;
	s9 =	smov.u32 s14  }
0x1d: {  	s11 =	sadd.s32 $0x1, s11;
	[sflag:s15] =	ssyncadd.s32 @!p1 $0xFFFFE000;
	s10 =	smov.u32 s16  }
.LBB1_1:
0x1e: {  	p1 =	sge.u32 s11, s5  }
0x1f: {  	s14 =	sand.u32 @!p1 $0x1FFFFFF, s9  }
0x20: {  	s15 =	smulhi.u32 @!p1 $0x147AE15, s14;
	_ =	sdelay $0x1  }
0x21: {  	s15 =	smul.u32 @!p1 $0xC8, s15  }
0x22: {  	s16 =	sxor.u32 @!p1 $0xFFFFFFFF, s11;
	s17 =	smul.u32 @!p1 $0xC80, s10  }
0x23: {  	s31 =	sadd.s32 $0xFFFFFFFF, s11;
	s16 =	sshll.u32 @!p1 s16, $0xD;
	s14 =	ssub.s32 @!p1 s14, s15  }
0x24: {  	s15 =	sand.u32 @!p1 $0x2000, s16;
	s16 =	sadd.s32 @!p1 s6, s17;
	s14 =	sshll.u32 @!p1 s14, $0x4  }
0x25: {  	s17 =	simm.s32 @!p1 $0x6400;
	s14 =	sadd.s32 @!p1 s14, s16;
	s16 =	simm.s32 @!p1 $0x40  }
0x26: {  	[tilespmem:s15], [sflag:$0x1] =	stream.strided.gather @!p1 [hbm4b:s14+s16], $0x2000, s17, s16, $0x38;
	[tilespmem:$0x8080] =	vst v63  }
0x27: {  	p1 =	sge.u32 s31, s5  }
.Ltmp2:
0x28: {  	_ = 	snop;
	(pc) =	sbr.rel @p1 .LBB1_5-.Ltmp2, $1  }
0x29: {  	_ =	sdelay $0x3  }
0x2a: {  	s14 =	simm.s32 $0x1  }
0x2b: {  	_ =	swait.ge [sflag:s4], $0x2000;
	s14 =	simm.s32 @!p0 $0x0  }
0x2c: {  	[sflag:s4] =	ssyncset.done $0x0;
	s15 =	sshll.u32 s14, $0xD  }
0x2d: {  	[sflag:s4] =	ssyncadd.s32 $0xFFFFE000;
	s18 =	sor.u32 $0x20, s15  }
0x2e: {  	s14 =	smul.u32 $0x8100, s14;
	v3 =	vld [tilespmem:s18+$0x10]  }
0x2f: {  	s30 =	sand.u32 $0x1, s11;
	v2 =	vld [tilespmem:s18+$0xFFFFFFF0]  }
0x30: {  	s15 =	smul.u32 $0x8100, s30;
	s14 =	sshrl.u32 s14, $0x2;
	v0 =	vld [tilespmem:s18+$0x0]  }
0x31: {  	v1 =	vld [tilespmem:s18+$0xFFFFFFE0];
	s16 =	sor.u32 $0x4000, s14  }
0x32: {  	s31 =	sshrl.u32 s15, $0x2;
	s15 =	sadd.s32 $0x0, s16  }
0x33: {  	s17 =	simm.s32 $0x4;
	s18 =	sadd.s32 $0x40, s18;
	s14 =	sor.u32 $0x4000, s31;
	[tilespmem:s15+$0x1830 ss:$0x81] =	vst.msk $0xffff, v3  }
.LBB1_3:
0x34: {  	v3 =	vld [tilespmem:s18+$0x10];
	p1 =	sne.s32 s17, $0x1FC;
	[tilespmem:s15+$0x810 ss:$0x81] =	vst.msk $0xffff, v2;
	s19 =	smov.u32 s17;
	s17 =	sadd.s32 $0x4, s17  }
.Ltmp3:
0x35: {  	v2 =	vld [tilespmem:s18+$0xFFFFFFF0];
	[tilespmem:s15+$0x1020 ss:$0x81] =	vst.msk $0xffff, v0;
	(pc) =	sbr.rel @p1 .LBB1_3-.Ltmp3, $4  }
0x36: {  	v0 =	vld [tilespmem:s18+$0x0];
	[tilespmem:s15+$0x0 ss:$0x81] =	vst.msk $0xffff, v1  }
0x37: {  	s15 =	sshra.s32 s19, $0x2;
	v1 =	vld [tilespmem:s18+$0xFFFFFFE0]  }
0x38: {  	s15 =	sadd.s32 s15, s16  }
0x39: {  	s18 =	sadd.s32 $0x40, s18;
	[tilespmem:s15+$0x1830 ss:$0x81] =	vst.msk $0xffff, v3  }
.Ltmp4:
0x3a: {  	_ = 	snop;
	(pc) =	sbr.rel .LBB1_4-.Ltmp4, $1  }
0x3b: {  	_ =	sdelay $0x3  }
.LBB1_6:
0x3c: {  	_ =	sfence.sel $0x180000  }
0x3d: {  	s2 =	simm.s32 $0x1;
	[bflag:$0x0] =	sbarrier.arrive $0xFFFF  }
0x3e: {  	s31 =	simm.s32 $0x2;
	[sflag:s2] =	ssyncpa.u1 $0x1  }
0x3f: {  	[sflag:s31] =	ssyncpa.u1 $0x1  }
0x40: {  	p0 =	sne.s32 s0, $0x0;
	_ =	strace $0x9000004A  }
0x41: {  	s0 =	sadd.s32 @!p0 $0x100000, s1;
	[bflag:$0x2] =	sbarrier.arrive $0xFFFF  }
0x42: {  	[sflag:s0] =	ssyncadd.tile.s32 @!p0 $0x1;
	_ =	shalt  }
.Lfunc_end1:
_tile_overlayer_lowered:
.L_overlay_start_2:
0x43: {  	(tag) =	ssettag $0x2  }
0x44: {  	s0 =	rddreg [dreg:$0x0];
	s2 =	stileid.u32  }
0x45: {  	s1 =	rddreg [dreg:$0x1];
	p0 =	sne.s32 s2, $0x0  }
0x46: {  	s3 =	rddreg [dreg:$0x2];
	[bflag:$0x3] =	sbarrier.arrive $0xFFFF;
	s2 =	simm.s32 @!p0 $0x1C01  }
0x47: {  	[timem:s3], [sflag:s2] =	dma.local @!p0 [hbm:s0], s1  }
0x48: {  	s0 =	simm.s32 @!p0 $0x1  }
0x49: {  	_ =	swait.ge @!p0 [sflag:s0], s1  }
0x4a: {  	s1 =	ssub.s32 @!p0 $0x0, s1;
	[sflag:s0] =	ssyncset.done @!p0 $0x0  }
0x4b: {  	[sflag:s0] =	ssyncadd.s32 @!p0 s1  }
0x4c: {  	[bflag:$0x3] =	sbarrier.arrive $0xFFFF  }
0x4d: {  	_ =	shalt  }

</sc_bundles>
